<compile_context>
chip_gen: v7x
topology: tpu7x:2x2x1
jax: 0.10.2.dev20260603
libtpu: 0.0.44.dev20260713+nightly
codegen_flags: <defaults>
</compile_context>

<pallas_src>
import functools

import jax
import jax.numpy as jnp
from jax import lax
from jax.experimental import pallas as pl
from jax.experimental.pallas import tpu as pltpu
from jax.experimental.pallas import tpu_sc as plsc

D = 128
NC, NS = 2, 16
NW = NC * NS
CHUNK = 64


def _prep_body(iw_ref, t0_ref, t1_ref, f_ref, e_ref, a_ref, idx2_ref):
    t0 = t0_ref[...]
    t1 = t1_ref[...]
    h0 = jnp.tanh(t0)
    h1 = jnp.tanh(t1)
    s0 = 1.0 / (1.0 + jnp.exp(h1 - h0))
    s1 = 1.0 - s0
    f_ref[...] = t0 * s0 + t1 * s1
    v = t0.shape[0]
    e_ref[0:v, :] = t0
    e_ref[v:2 * v, :] = t1
    a_ref[0:v, :] = s0
    a_ref[v:2 * v, :] = s1
    l = iw_ref.shape[1]
    rows = lax.broadcasted_iota(jnp.int32, (l, 2 * l), 0)
    cols = lax.broadcasted_iota(jnp.int32, (l, 2 * l), 1)
    perm = (cols // 2 == rows).astype(jnp.float32)
    dup = lax.dot(iw_ref[...].astype(jnp.float32), perm,
                  precision=lax.Precision.HIGHEST)
    odd = (lax.broadcasted_iota(jnp.int32, dup.shape, 1) % 2) * v
    idx2_ref[...] = dup.astype(jnp.int32) + odd


def _prep(iw, t0, t1):
    v = t0.shape[0]
    b, l = iw.shape
    return pl.pallas_call(
        _prep_body,
        out_shape=(
            jax.ShapeDtypeStruct((v, D), jnp.float32),
            jax.ShapeDtypeStruct((2 * v, D), jnp.float32),
            jax.ShapeDtypeStruct((2 * v, D), jnp.float32),
            jax.ShapeDtypeStruct((b, 2 * l), jnp.int32),
        ),
    )(iw, t0, t1)


@functools.lru_cache(maxsize=None)
def _make_gather(b_total):
    b_per_w = b_total // NW
    n = b_per_w // CHUNK
    assert b_per_w * NW == b_total and n * CHUNK == b_per_w

    @functools.partial(
        pl.kernel,
        out_type=(
            jax.ShapeDtypeStruct((b_total, D), jnp.float32),
            jax.ShapeDtypeStruct((2 * b_total, D), jnp.float32),
            jax.ShapeDtypeStruct((2 * b_total, D), jnp.float32),
        ),
        mesh=plsc.VectorSubcoreMesh(core_axis_name="c", subcore_axis_name="s"),
        scratch_types=[
            pltpu.VMEM((n, 2 * CHUNK), jnp.int32),
            pltpu.VMEM((n, CHUNK), jnp.int32),
            pltpu.VMEM((2, CHUNK, D), jnp.float32),
            pltpu.VMEM((2, 2 * CHUNK, D), jnp.float32),
            pltpu.VMEM((2, 2 * CHUNK, D), jnp.float32),
            pltpu.SemaphoreType.DMA,
            pltpu.SemaphoreType.DMA,
            pltpu.SemaphoreType.DMA,
            pltpu.SemaphoreType.DMA,
            pltpu.SemaphoreType.DMA,
            pltpu.SemaphoreType.DMA,
        ],
    )
    def gather(idxb_hbm, idxl_hbm, f_hbm, e_hbm, a_hbm, of_hbm, oe_hbm, oa_hbm,
               idxb_v, idxl_v, bf, be, ba, gf, ge, ga, sf, se, sa):
        wid = lax.axis_index("s") * NC + lax.axis_index("c")

        def fire_gathers(i, p):
            pltpu.async_copy(f_hbm.at[idxl_v.at[i]], bf.at[p], gf)
            pltpu.async_copy(e_hbm.at[idxb_v.at[i]], be.at[p], ge)
            pltpu.async_copy(a_hbm.at[idxb_v.at[i]], ba.at[p], ga)

        def store_base(i):
            return wid * b_per_w + i * CHUNK

        def stream_f(i, p):
            pltpu.make_async_copy(f_hbm.at[pl.ds(0, CHUNK)], bf.at[p], gf).wait()
            pltpu.async_copy(bf.at[p], of_hbm.at[pl.ds(store_base(i), CHUNK)], sf)

        def stream_e(i, p):
            pltpu.make_async_copy(e_hbm.at[pl.ds(0, 2 * CHUNK)], be.at[p], ge).wait()
            pltpu.async_copy(be.at[p],
                             oe_hbm.at[pl.ds(2 * store_base(i), 2 * CHUNK)], se)

        def stream_a(i, p):
            pltpu.make_async_copy(a_hbm.at[pl.ds(0, 2 * CHUNK)], ba.at[p], ga).wait()
            pltpu.async_copy(ba.at[p],
                             oa_hbm.at[pl.ds(2 * store_base(i), 2 * CHUNK)], sa)

        def drain_stores(p):
            pltpu.make_async_copy(bf.at[p], of_hbm.at[pl.ds(0, CHUNK)], sf).wait()
            pltpu.make_async_copy(be.at[p], oe_hbm.at[pl.ds(0, 2 * CHUNK)], se).wait()
            pltpu.make_async_copy(ba.at[p], oa_hbm.at[pl.ds(0, 2 * CHUNK)], sa).wait()

        pltpu.sync_copy(idxb_hbm.at[wid], idxb_v)
        pltpu.sync_copy(idxl_hbm.at[wid], idxl_v)
        fire_gathers(0, 0)

        def body(i, carry):
            p = i % 2
            q = (i + 1) % 2

            @pl.when(i > 0)
            def _():
                drain_stores(q)

            @pl.when(i < n - 1)
            def _():
                fire_gathers(i + 1, q)

            stream_f(i, p)
            stream_e(i, p)
            stream_a(i, p)
            return carry

        lax.fori_loop(0, n, body, 0)
        drain_stores((n - 1) % 2)

    return gather


def kernel(input_words, T0, T1):
    b, l = input_words.shape
    iw = input_words.astype(jnp.int32)
    n = (b * l) // (NW * CHUNK)
    f_tab, e_tab, a_tab, idx2 = _prep(iw, T0, T1)
    idxb = idx2.reshape(NW, n, 2 * CHUNK)
    idxl = iw.T.reshape(NW, n, CHUNK)
    of, oe, oa = _make_gather(b * l)(idxb, idxl, f_tab, e_tab, a_tab)
    final = of.reshape(l, b, D).transpose(1, 0, 2)
    emb = oe.reshape(b, l, 2, D).transpose(0, 1, 3, 2)
    attn = oa.reshape(b, l, 2, D).transpose(0, 1, 3, 2)
    return (final, emb, attn)

# --- scband reference (transcript-rebuilt; emitter-appended) ---
"""Pipeline reference for scband-word-meta-embedding-73426760892805 (READ-ONLY COPY).

The authoritative reference and input builder live on the scoring server;
editing this copy changes nothing except your own understanding.
"""

import jax, jax.numpy as jnp
import numpy as np

VOCAB = 1000
EMB_DIM = 128
BATCH = 4096
HIST_LEN = 50


def setup_inputs(seed: int = 0) -> dict:
    key = jax.random.key(seed)
    k1, k2, k3 = jax.random.split(key, 3)
    input_words = jax.random.randint(k1, (BATCH, HIST_LEN), 0, VOCAB, dtype=jnp.int64 if jax.config.jax_enable_x64 else jnp.int32)
    # Two pretrained word-embedding tables (frozen in the torch module); materialized
    # here as the learned parameters sized per init_kwargs.
    T0 = jax.random.normal(k2, (VOCAB, EMB_DIM), dtype=jnp.float32) * 0.02
    T1 = jax.random.normal(k3, (VOCAB, EMB_DIM), dtype=jnp.float32) * 0.02
    return {"input_words": input_words, "T0": T0, "T1": T1}


def reference(input_words, T0, T1):
    # mode='attn_sum', no_projection=True, two embedding tables.
    e0 = jnp.take(T0, input_words, axis=0)  # [B, L, D]
    e1 = jnp.take(T1, input_words, axis=0)  # [B, L, D]
    # torch: stack of [B,L,D,1] tensors along dim=-1 -> [B,L,D,1,2], then squeeze -> [B,L,D,2]
    embedding = jnp.stack([e0, e1], axis=-1)  # [B, L, D, 2]
    attn = jnp.tanh(embedding)
    attn_scores = jax.nn.softmax(attn, axis=-1)
    # attention-weighted sum over the meta-embedding axis
    final_embedding = jnp.sum(embedding * attn_scores, axis=-1)  # [B, L, D]
    return (final_embedding, embedding, attn_scores)

if __name__ == "__main__":
    import jax
    _d = setup_inputs()
    print(jax.jit(kernel)(*tuple(_d.values())))

</pallas_src>

<mosaic_0001>
#map = affine_map<(d0, d1) -> (0, 0, 0)>
#map1 = affine_map<(d0, d1) -> (0, 0)>
module attributes {stable_mosaic.version = 14 : i64} {
  func.func @gather(%arg0: i32, %arg1: i32, %arg2: memref<32x100x128xi32, #tpu.memory_space<hbm>>, %arg3: memref<32x100x64xi32, #tpu.memory_space<hbm>>, %arg4: memref<1000x128xf32, #tpu.memory_space<hbm>>, %arg5: memref<2000x128xf32, #tpu.memory_space<hbm>>, %arg6: memref<2000x128xf32, #tpu.memory_space<hbm>>, %arg7: memref<204800x128xf32, #tpu.memory_space<hbm>>, %arg8: memref<409600x128xf32, #tpu.memory_space<hbm>>, %arg9: memref<409600x128xf32, #tpu.memory_space<hbm>>, %arg10: memref<100x128xi32, #tpu.memory_space<vmem>>, %arg11: memref<100x64xi32, #tpu.memory_space<vmem>>, %arg12: memref<2x64x128xf32, #tpu.memory_space<vmem>>, %arg13: memref<2x128x128xf32, #tpu.memory_space<vmem>>, %arg14: memref<2x128x128xf32, #tpu.memory_space<vmem>>, %arg15: memref<!tpu.dma_semaphore, #tpu.memory_space<semaphore_mem>>, %arg16: memref<!tpu.dma_semaphore, #tpu.memory_space<semaphore_mem>>, %arg17: memref<!tpu.dma_semaphore, #tpu.memory_space<semaphore_mem>>, %arg18: memref<!tpu.dma_semaphore, #tpu.memory_space<semaphore_mem>>, %arg19: memref<!tpu.dma_semaphore, #tpu.memory_space<semaphore_mem>>, %arg20: memref<!tpu.dma_semaphore, #tpu.memory_space<semaphore_mem>>) attributes {dimension_semantics = [#tpu.dimension_semantics<core_parallel>, #tpu.dimension_semantics<subcore_parallel>], iteration_bounds = array<i64: 2, 16>, scalar_prefetch = 0 : i64, scratch_operands = 11 : i64, tpu.core_type = #tpu.core_type<sc_vector_subcore>, window_params = [{transform_indices = #map}, {transform_indices = #map}, {transform_indices = #map1}, {transform_indices = #map1}, {transform_indices = #map1}, {transform_indices = #map1}, {transform_indices = #map1}, {transform_indices = #map1}]} {
    %mul3A = arith.constant 2 : i32
    %mul3A_0 = arith.muli %arg1, %mul3A : i32
    %add3A = arith.addi %mul3A_0, %arg0 : i32
    "tpu.region"() ({
      %run_scoped3A = tpu.sem_alloc : memref<!tpu.dma_semaphore, #tpu.memory_space<semaphore_mem>>
      %dma_start3A_85 = arith.constant 0 : i32
      %dma_start3A_86 = arith.constant 0 : i32
      %dma_start3A_87 = tpu.memref_slice %arg2[%add3A, %dma_start3A_85, %dma_start3A_86] : memref<32x100x128xi32, #tpu.memory_space<hbm>> -> memref<1x100x128xi32, #tpu.memory_space<hbm>>
      %dma_start3A_88 = tpu.memref_squeeze %dma_start3A_87 : memref<1x100x128xi32, #tpu.memory_space<hbm>> -> memref<100x128xi32, #tpu.memory_space<hbm>>
      %dma_start3A_89 = arith.constant 0 : i32
      %dma_start3A_90 = arith.constant 0 : i32
      %dma_start3A_91 = tpu.memref_slice %arg2[%add3A, %dma_start3A_89, %dma_start3A_90] : memref<32x100x128xi32, #tpu.memory_space<hbm>> -> memref<1x100x128xi32, #tpu.memory_space<hbm>>
      %dma_start3A_92 = tpu.memref_squeeze %dma_start3A_91 : memref<1x100x128xi32, #tpu.memory_space<hbm>> -> memref<100x128xi32, #tpu.memory_space<hbm>>
      tpu.enqueue_dma source(%dma_start3A_92 : memref<100x128xi32, #tpu.memory_space<hbm>>) target(%arg10 : memref<100x128xi32, #tpu.memory_space<vmem>>) target_semaphore(%run_scoped3A : memref<!tpu.dma_semaphore, #tpu.memory_space<semaphore_mem>>)
      %dma_wait3A_93 = arith.constant 0 : i32
      %dma_wait3A_94 = arith.constant 0 : i32
      %dma_wait3A_95 = tpu.memref_slice %arg2[%add3A, %dma_wait3A_93, %dma_wait3A_94] : memref<32x100x128xi32, #tpu.memory_space<hbm>> -> memref<1x100x128xi32, #tpu.memory_space<hbm>>
      %dma_wait3A_96 = tpu.memref_squeeze %dma_wait3A_95 : memref<1x100x128xi32, #tpu.memory_space<hbm>> -> memref<100x128xi32, #tpu.memory_space<hbm>>
      %dma_wait3A_97 = arith.constant 0 : i32
      %dma_wait3A_98 = arith.constant 0 : i32
      %dma_wait3A_99 = tpu.memref_slice %arg2[%add3A, %dma_wait3A_97, %dma_wait3A_98] : memref<32x100x128xi32, #tpu.memory_space<hbm>> -> memref<1x100x128xi32, #tpu.memory_space<hbm>>
      %dma_wait3A_100 = tpu.memref_squeeze %dma_wait3A_99 : memref<1x100x128xi32, #tpu.memory_space<hbm>> -> memref<100x128xi32, #tpu.memory_space<hbm>>
      tpu.wait_dma2 semaphore(%run_scoped3A : memref<!tpu.dma_semaphore, #tpu.memory_space<semaphore_mem>>) src(%dma_wait3A_100 : memref<100x128xi32, #tpu.memory_space<hbm>>) dst(%arg10 : memref<100x128xi32, #tpu.memory_space<vmem>>)
      tpu.yield
    }) : () -> ()
    "tpu.region"() ({
      %run_scoped3A = tpu.sem_alloc : memref<!tpu.dma_semaphore, #tpu.memory_space<semaphore_mem>>
      %dma_start3A_85 = arith.constant 0 : i32
      %dma_start3A_86 = arith.constant 0 : i32
      %dma_start3A_87 = tpu.memref_slice %arg3[%add3A, %dma_start3A_85, %dma_start3A_86] : memref<32x100x64xi32, #tpu.memory_space<hbm>> -> memref<1x100x64xi32, #tpu.memory_space<hbm>>
      %dma_start3A_88 = tpu.memref_squeeze %dma_start3A_87 : memref<1x100x64xi32, #tpu.memory_space<hbm>> -> memref<100x64xi32, #tpu.memory_space<hbm>>
      %dma_start3A_89 = arith.constant 0 : i32
      %dma_start3A_90 = arith.constant 0 : i32
      %dma_start3A_91 = tpu.memref_slice %arg3[%add3A, %dma_start3A_89, %dma_start3A_90] : memref<32x100x64xi32, #tpu.memory_space<hbm>> -> memref<1x100x64xi32, #tpu.memory_space<hbm>>
      %dma_start3A_92 = tpu.memref_squeeze %dma_start3A_91 : memref<1x100x64xi32, #tpu.memory_space<hbm>> -> memref<100x64xi32, #tpu.memory_space<hbm>>
      tpu.enqueue_dma source(%dma_start3A_92 : memref<100x64xi32, #tpu.memory_space<hbm>>) target(%arg11 : memref<100x64xi32, #tpu.memory_space<vmem>>) target_semaphore(%run_scoped3A : memref<!tpu.dma_semaphore, #tpu.memory_space<semaphore_mem>>)
      %dma_wait3A_93 = arith.constant 0 : i32
      %dma_wait3A_94 = arith.constant 0 : i32
      %dma_wait3A_95 = tpu.memref_slice %arg3[%add3A, %dma_wait3A_93, %dma_wait3A_94] : memref<32x100x64xi32, #tpu.memory_space<hbm>> -> memref<1x100x64xi32, #tpu.memory_space<hbm>>
      %dma_wait3A_96 = tpu.memref_squeeze %dma_wait3A_95 : memref<1x100x64xi32, #tpu.memory_space<hbm>> -> memref<100x64xi32, #tpu.memory_space<hbm>>
      %dma_wait3A_97 = arith.constant 0 : i32
      %dma_wait3A_98 = arith.constant 0 : i32
      %dma_wait3A_99 = tpu.memref_slice %arg3[%add3A, %dma_wait3A_97, %dma_wait3A_98] : memref<32x100x64xi32, #tpu.memory_space<hbm>> -> memref<1x100x64xi32, #tpu.memory_space<hbm>>
      %dma_wait3A_100 = tpu.memref_squeeze %dma_wait3A_99 : memref<1x100x64xi32, #tpu.memory_space<hbm>> -> memref<100x64xi32, #tpu.memory_space<hbm>>
      tpu.wait_dma2 semaphore(%run_scoped3A : memref<!tpu.dma_semaphore, #tpu.memory_space<semaphore_mem>>) src(%dma_wait3A_100 : memref<100x64xi32, #tpu.memory_space<hbm>>) dst(%arg11 : memref<100x64xi32, #tpu.memory_space<vmem>>)
      tpu.yield
    }) : () -> ()
    %dma_start3A = arith.constant 0 : i32
    %dma_start3A_1 = arith.constant 0 : i32
    %dma_start3A_2 = arith.constant 0 : i32
    %dma_start3A_3 = arith.constant 0 : i32
    %dma_start3A_4 = tpu.memref_slice %arg12[%dma_start3A_1, %dma_start3A_2, %dma_start3A_3] : memref<2x64x128xf32, #tpu.memory_space<vmem>> -> memref<1x64x128xf32, #tpu.memory_space<vmem>>
    %dma_start3A_5 = tpu.memref_squeeze %dma_start3A_4 : memref<1x64x128xf32, #tpu.memory_space<vmem>> -> memref<64x128xf32, #tpu.memory_space<vmem>>
    %dma_start3A_6 = arith.constant 0 : i32
    %dma_start3A_7 = tpu.memref_slice %arg11[%dma_start3A, %dma_start3A_6] : memref<100x64xi32, #tpu.memory_space<vmem>> -> memref<1x64xi32, #tpu.memory_space<vmem>>
    %dma_start3A_8 = tpu.memref_squeeze %dma_start3A_7 : memref<1x64xi32, #tpu.memory_space<vmem>> -> memref<64xi32, #tpu.memory_space<vmem>>
    %dma_start3A_9 = arith.constant 0 : i32
    %dma_start3A_10 = arith.constant 0 : i32
    %dma_start3A_11 = tpu.memref_slice %arg4[%dma_start3A_9, %dma_start3A_10] : memref<1000x128xf32, #tpu.memory_space<hbm>> -> memref<1000x128xf32, #tpu.memory_space<hbm>>
    tpu.enqueue_indirect_dma source(%dma_start3A_11 : memref<1000x128xf32, #tpu.memory_space<hbm>>) target(%dma_start3A_5 : memref<64x128xf32, #tpu.memory_space<vmem>>) offsets(%dma_start3A_8 : memref<64xi32, #tpu.memory_space<vmem>>) semaphore(%arg15 : memref<!tpu.dma_semaphore, #tpu.memory_space<semaphore_mem>>)
    %dma_start3A_12 = arith.constant 0 : i32
    %dma_start3A_13 = arith.constant 0 : i32
    %dma_start3A_14 = arith.constant 0 : i32
    %dma_start3A_15 = arith.constant 0 : i32
    %dma_start3A_16 = tpu.memref_slice %arg13[%dma_start3A_13, %dma_start3A_14, %dma_start3A_15] : memref<2x128x128xf32, #tpu.memory_space<vmem>> -> memref<1x128x128xf32, #tpu.memory_space<vmem>>
    %dma_start3A_17 = tpu.memref_squeeze %dma_start3A_16 : memref<1x128x128xf32, #tpu.memory_space<vmem>> -> memref<128x128xf32, #tpu.memory_space<vmem>>
    %dma_start3A_18 = arith.constant 0 : i32
    %dma_start3A_19 = tpu.memref_slice %arg10[%dma_start3A_12, %dma_start3A_18] : memref<100x128xi32, #tpu.memory_space<vmem>> -> memref<1x128xi32, #tpu.memory_space<vmem>>
    %dma_start3A_20 = tpu.memref_squeeze %dma_start3A_19 : memref<1x128xi32, #tpu.memory_space<vmem>> -> memref<128xi32, #tpu.memory_space<vmem>>
    %dma_start3A_21 = arith.constant 0 : i32
    %dma_start3A_22 = arith.constant 0 : i32
    %dma_start3A_23 = tpu.memref_slice %arg5[%dma_start3A_21, %dma_start3A_22] : memref<2000x128xf32, #tpu.memory_space<hbm>> -> memref<2000x128xf32, #tpu.memory_space<hbm>>
    tpu.enqueue_indirect_dma source(%dma_start3A_23 : memref<2000x128xf32, #tpu.memory_space<hbm>>) target(%dma_start3A_17 : memref<128x128xf32, #tpu.memory_space<vmem>>) offsets(%dma_start3A_20 : memref<128xi32, #tpu.memory_space<vmem>>) semaphore(%arg16 : memref<!tpu.dma_semaphore, #tpu.memory_space<semaphore_mem>>)
    %dma_start3A_24 = arith.constant 0 : i32
    %dma_start3A_25 = arith.constant 0 : i32
    %dma_start3A_26 = arith.constant 0 : i32
    %dma_start3A_27 = arith.constant 0 : i32
    %dma_start3A_28 = tpu.memref_slice %arg14[%dma_start3A_25, %dma_start3A_26, %dma_start3A_27] : memref<2x128x128xf32, #tpu.memory_space<vmem>> -> memref<1x128x128xf32, #tpu.memory_space<vmem>>
    %dma_start3A_29 = tpu.memref_squeeze %dma_start3A_28 : memref<1x128x128xf32, #tpu.memory_space<vmem>> -> memref<128x128xf32, #tpu.memory_space<vmem>>
    %dma_start3A_30 = arith.constant 0 : i32
    %dma_start3A_31 = tpu.memref_slice %arg10[%dma_start3A_24, %dma_start3A_30] : memref<100x128xi32, #tpu.memory_space<vmem>> -> memref<1x128xi32, #tpu.memory_space<vmem>>
    %dma_start3A_32 = tpu.memref_squeeze %dma_start3A_31 : memref<1x128xi32, #tpu.memory_space<vmem>> -> memref<128xi32, #tpu.memory_space<vmem>>
    %dma_start3A_33 = arith.constant 0 : i32
    %dma_start3A_34 = arith.constant 0 : i32
    %dma_start3A_35 = tpu.memref_slice %arg6[%dma_start3A_33, %dma_start3A_34] : memref<2000x128xf32, #tpu.memory_space<hbm>> -> memref<2000x128xf32, #tpu.memory_space<hbm>>
    tpu.enqueue_indirect_dma source(%dma_start3A_35 : memref<2000x128xf32, #tpu.memory_space<hbm>>) target(%dma_start3A_29 : memref<128x128xf32, #tpu.memory_space<vmem>>) offsets(%dma_start3A_32 : memref<128xi32, #tpu.memory_space<vmem>>) semaphore(%arg17 : memref<!tpu.dma_semaphore, #tpu.memory_space<semaphore_mem>>)
    %scan3A = arith.constant 0 : i32
    %scan3A_36 = arith.constant 0 : i32
    %scan3A_37 = arith.constant 100 : i32
    %scan3A_38 = arith.addi %scan3A_36, %scan3A_37 : i32
    %scan3A_39 = arith.constant 1 : i32
    scf.for %scan3A_85 = %scan3A_36 to %scan3A_38 step %scan3A_39  : i32 {
      %jit3A = arith.constant 2 : i32
      %eq3A = arith.constant 0 : i32
      %eq3A_86 = arith.cmpi eq, %jit3A, %eq3A : i32
      %jit3A_87 = arith.constant 1 : i32
      %select_n3A = arith.select %eq3A_86, %jit3A_87, %jit3A : i32
      %rem3A = arith.remsi %scan3A_85, %select_n3A : i32
      %ne3A = arith.constant 0 : i32
      %ne3A_88 = arith.cmpi ne, %rem3A, %ne3A : i32
      %lt3A = arith.constant 0 : i32
      %lt3A_89 = arith.cmpi slt, %rem3A, %lt3A : i32
      %lt3A_90 = arith.constant 0 : i32
      %lt3A_91 = arith.cmpi slt, %select_n3A, %lt3A_90 : i32
      %ne3A_92 = arith.xori %lt3A_89, %lt3A_91 : i1
      %and3A = arith.andi %ne3A_92, %ne3A_88 : i1
      %add3A_93 = arith.addi %rem3A, %select_n3A : i32
      %select_n3A_94 = arith.select %and3A, %add3A_93, %rem3A : i32
      %add3A_95 = arith.constant 1 : i32
      %add3A_96 = arith.addi %scan3A_85, %add3A_95 : i32
      %jit3A_97 = arith.constant 2 : i32
      %eq3A_98 = arith.constant 0 : i32
      %eq3A_99 = arith.cmpi eq, %jit3A_97, %eq3A_98 : i32
      %jit3A_100 = arith.constant 1 : i32
      %select_n3A_101 = arith.select %eq3A_99, %jit3A_100, %jit3A_97 : i32
      %rem3A_102 = arith.remsi %add3A_96, %select_n3A_101 : i32
      %ne3A_103 = arith.constant 0 : i32
      %ne3A_104 = arith.cmpi ne, %rem3A_102, %ne3A_103 : i32
      %lt3A_105 = arith.constant 0 : i32
      %lt3A_106 = arith.cmpi slt, %rem3A_102, %lt3A_105 : i32
      %lt3A_107 = arith.constant 0 : i32
      %lt3A_108 = arith.cmpi slt, %select_n3A_101, %lt3A_107 : i32
      %ne3A_109 = arith.xori %lt3A_106, %lt3A_108 : i1
      %and3A_110 = arith.andi %ne3A_109, %ne3A_104 : i1
      %add3A_111 = arith.addi %rem3A_102, %select_n3A_101 : i32
      %select_n3A_112 = arith.select %and3A_110, %add3A_111, %rem3A_102 : i32
      %gt3A = arith.constant 0 : i32
      %gt3A_113 = arith.cmpi sgt, %scan3A_85, %gt3A : i32
      %convert_element_type3A = arith.extui %gt3A_113 : i1 to i32
      %cond3A = arith.constant 0 : i32
      %cond3A_114 = arith.cmpi ne, %convert_element_type3A, %cond3A : i32
      scf.if %cond3A_114 {
        %dma_wait3A_217 = arith.constant 0 : i32
        %dma_wait3A_218 = arith.constant 0 : i32
        %dma_wait3A_219 = tpu.memref_slice %arg12[%select_n3A_112, %dma_wait3A_217, %dma_wait3A_218] : memref<2x64x128xf32, #tpu.memory_space<vmem>> -> memref<1x64x128xf32, #tpu.memory_space<vmem>>
        %dma_wait3A_220 = tpu.memref_squeeze %dma_wait3A_219 : memref<1x64x128xf32, #tpu.memory_space<vmem>> -> memref<64x128xf32, #tpu.memory_space<vmem>>
        %dma_wait3A_221 = arith.constant 0 : i32
        %dma_wait3A_222 = arith.constant 0 : i32
        %dma_wait3A_223 = tpu.memref_slice %arg7[%dma_wait3A_221, %dma_wait3A_222] : memref<204800x128xf32, #tpu.memory_space<hbm>> -> memref<64x128xf32, #tpu.memory_space<hbm>>
        %dma_wait3A_224 = arith.constant 0 : i32
        %dma_wait3A_225 = arith.constant 0 : i32
        %dma_wait3A_226 = tpu.memref_slice %arg7[%dma_wait3A_224, %dma_wait3A_225] : memref<204800x128xf32, #tpu.memory_space<hbm>> -> memref<64x128xf32, #tpu.memory_space<hbm>>
        %dma_wait3A_227 = arith.constant 0 : i32
        %dma_wait3A_228 = arith.constant 0 : i32
        %dma_wait3A_229 = tpu.memref_slice %arg12[%select_n3A_112, %dma_wait3A_227, %dma_wait3A_228] : memref<2x64x128xf32, #tpu.memory_space<vmem>> -> memref<1x64x128xf32, #tpu.memory_space<vmem>>
        %dma_wait3A_230 = tpu.memref_squeeze %dma_wait3A_229 : memref<1x64x128xf32, #tpu.memory_space<vmem>> -> memref<64x128xf32, #tpu.memory_space<vmem>>
        tpu.wait_dma2 semaphore(%arg18 : memref<!tpu.dma_semaphore, #tpu.memory_space<semaphore_mem>>) src(%dma_wait3A_230 : memref<64x128xf32, #tpu.memory_space<vmem>>) dst(%dma_wait3A_226 : memref<64x128xf32, #tpu.memory_space<hbm>>)
        %dma_wait3A_231 = arith.constant 0 : i32
        %dma_wait3A_232 = arith.constant 0 : i32
        %dma_wait3A_233 = tpu.memref_slice %arg13[%select_n3A_112, %dma_wait3A_231, %dma_wait3A_232] : memref<2x128x128xf32, #tpu.memory_space<vmem>> -> memref<1x128x128xf32, #tpu.memory_space<vmem>>
        %dma_wait3A_234 = tpu.memref_squeeze %dma_wait3A_233 : memref<1x128x128xf32, #tpu.memory_space<vmem>> -> memref<128x128xf32, #tpu.memory_space<vmem>>
        %dma_wait3A_235 = arith.constant 0 : i32
        %dma_wait3A_236 = arith.constant 0 : i32
        %dma_wait3A_237 = tpu.memref_slice %arg8[%dma_wait3A_235, %dma_wait3A_236] : memref<409600x128xf32, #tpu.memory_space<hbm>> -> memref<128x128xf32, #tpu.memory_space<hbm>>
        %dma_wait3A_238 = arith.constant 0 : i32
        %dma_wait3A_239 = arith.constant 0 : i32
        %dma_wait3A_240 = tpu.memref_slice %arg8[%dma_wait3A_238, %dma_wait3A_239] : memref<409600x128xf32, #tpu.memory_space<hbm>> -> memref<128x128xf32, #tpu.memory_space<hbm>>
        %dma_wait3A_241 = arith.constant 0 : i32
        %dma_wait3A_242 = arith.constant 0 : i32
        %dma_wait3A_243 = tpu.memref_slice %arg13[%select_n3A_112, %dma_wait3A_241, %dma_wait3A_242] : memref<2x128x128xf32, #tpu.memory_space<vmem>> -> memref<1x128x128xf32, #tpu.memory_space<vmem>>
        %dma_wait3A_244 = tpu.memref_squeeze %dma_wait3A_243 : memref<1x128x128xf32, #tpu.memory_space<vmem>> -> memref<128x128xf32, #tpu.memory_space<vmem>>
        tpu.wait_dma2 semaphore(%arg19 : memref<!tpu.dma_semaphore, #tpu.memory_space<semaphore_mem>>) src(%dma_wait3A_244 : memref<128x128xf32, #tpu.memory_space<vmem>>) dst(%dma_wait3A_240 : memref<128x128xf32, #tpu.memory_space<hbm>>)
        %dma_wait3A_245 = arith.constant 0 : i32
        %dma_wait3A_246 = arith.constant 0 : i32
        %dma_wait3A_247 = tpu.memref_slice %arg14[%select_n3A_112, %dma_wait3A_245, %dma_wait3A_246] : memref<2x128x128xf32, #tpu.memory_space<vmem>> -> memref<1x128x128xf32, #tpu.memory_space<vmem>>
        %dma_wait3A_248 = tpu.memref_squeeze %dma_wait3A_247 : memref<1x128x128xf32, #tpu.memory_space<vmem>> -> memref<128x128xf32, #tpu.memory_space<vmem>>
        %dma_wait3A_249 = arith.constant 0 : i32
        %dma_wait3A_250 = arith.constant 0 : i32
        %dma_wait3A_251 = tpu.memref_slice %arg9[%dma_wait3A_249, %dma_wait3A_250] : memref<409600x128xf32, #tpu.memory_space<hbm>> -> memref<128x128xf32, #tpu.memory_space<hbm>>
        %dma_wait3A_252 = arith.constant 0 : i32
        %dma_wait3A_253 = arith.constant 0 : i32
        %dma_wait3A_254 = tpu.memref_slice %arg9[%dma_wait3A_252, %dma_wait3A_253] : memref<409600x128xf32, #tpu.memory_space<hbm>> -> memref<128x128xf32, #tpu.memory_space<hbm>>
        %dma_wait3A_255 = arith.constant 0 : i32
        %dma_wait3A_256 = arith.constant 0 : i32
        %dma_wait3A_257 = tpu.memref_slice %arg14[%select_n3A_112, %dma_wait3A_255, %dma_wait3A_256] : memref<2x128x128xf32, #tpu.memory_space<vmem>> -> memref<1x128x128xf32, #tpu.memory_space<vmem>>
        %dma_wait3A_258 = tpu.memref_squeeze %dma_wait3A_257 : memref<1x128x128xf32, #tpu.memory_space<vmem>> -> memref<128x128xf32, #tpu.memory_space<vmem>>
        tpu.wait_dma2 semaphore(%arg20 : memref<!tpu.dma_semaphore, #tpu.memory_space<semaphore_mem>>) src(%dma_wait3A_258 : memref<128x128xf32, #tpu.memory_space<vmem>>) dst(%dma_wait3A_254 : memref<128x128xf32, #tpu.memory_space<hbm>>)
      } else {
      }
      %lt3A_115 = arith.constant 99 : i32
      %lt3A_116 = arith.cmpi slt, %scan3A_85, %lt3A_115 : i32
      %convert_element_type3A_117 = arith.extui %lt3A_116 : i1 to i32
      %cond3A_118 = arith.constant 0 : i32
      %cond3A_119 = arith.cmpi ne, %convert_element_type3A_117, %cond3A_118 : i32
      scf.if %cond3A_119 {
        %add3A_217 = arith.constant 1 : i32
        %add3A_218 = arith.addi %scan3A_85, %add3A_217 : i32
        %dma_start3A_219 = arith.constant 0 : i32
        %dma_start3A_220 = arith.constant 0 : i32
        %dma_start3A_221 = tpu.memref_slice %arg12[%select_n3A_112, %dma_start3A_219, %dma_start3A_220] : memref<2x64x128xf32, #tpu.memory_space<vmem>> -> memref<1x64x128xf32, #tpu.memory_space<vmem>>
        %dma_start3A_222 = tpu.memref_squeeze %dma_start3A_221 : memref<1x64x128xf32, #tpu.memory_space<vmem>> -> memref<64x128xf32, #tpu.memory_space<vmem>>
        %dma_start3A_223 = arith.constant 0 : i32
        %dma_start3A_224 = tpu.memref_slice %arg11[%add3A_218, %dma_start3A_223] : memref<100x64xi32, #tpu.memory_space<vmem>> -> memref<1x64xi32, #tpu.memory_space<vmem>>
        %dma_start3A_225 = tpu.memref_squeeze %dma_start3A_224 : memref<1x64xi32, #tpu.memory_space<vmem>> -> memref<64xi32, #tpu.memory_space<vmem>>
        %dma_start3A_226 = arith.constant 0 : i32
        %dma_start3A_227 = arith.constant 0 : i32
        %dma_start3A_228 = tpu.memref_slice %arg4[%dma_start3A_226, %dma_start3A_227] : memref<1000x128xf32, #tpu.memory_space<hbm>> -> memref<1000x128xf32, #tpu.memory_space<hbm>>
        tpu.enqueue_indirect_dma source(%dma_start3A_228 : memref<1000x128xf32, #tpu.memory_space<hbm>>) target(%dma_start3A_222 : memref<64x128xf32, #tpu.memory_space<vmem>>) offsets(%dma_start3A_225 : memref<64xi32, #tpu.memory_space<vmem>>) semaphore(%arg15 : memref<!tpu.dma_semaphore, #tpu.memory_space<semaphore_mem>>)
        %dma_start3A_229 = arith.constant 0 : i32
        %dma_start3A_230 = arith.constant 0 : i32
        %dma_start3A_231 = tpu.memref_slice %arg13[%select_n3A_112, %dma_start3A_229, %dma_start3A_230] : memref<2x128x128xf32, #tpu.memory_space<vmem>> -> memref<1x128x128xf32, #tpu.memory_space<vmem>>
        %dma_start3A_232 = tpu.memref_squeeze %dma_start3A_231 : memref<1x128x128xf32, #tpu.memory_space<vmem>> -> memref<128x128xf32, #tpu.memory_space<vmem>>
        %dma_start3A_233 = arith.constant 0 : i32
        %dma_start3A_234 = tpu.memref_slice %arg10[%add3A_218, %dma_start3A_233] : memref<100x128xi32, #tpu.memory_space<vmem>> -> memref<1x128xi32, #tpu.memory_space<vmem>>
        %dma_start3A_235 = tpu.memref_squeeze %dma_start3A_234 : memref<1x128xi32, #tpu.memory_space<vmem>> -> memref<128xi32, #tpu.memory_space<vmem>>
        %dma_start3A_236 = arith.constant 0 : i32
        %dma_start3A_237 = arith.constant 0 : i32
        %dma_start3A_238 = tpu.memref_slice %arg5[%dma_start3A_236, %dma_start3A_237] : memref<2000x128xf32, #tpu.memory_space<hbm>> -> memref<2000x128xf32, #tpu.memory_space<hbm>>
        tpu.enqueue_indirect_dma source(%dma_start3A_238 : memref<2000x128xf32, #tpu.memory_space<hbm>>) target(%dma_start3A_232 : memref<128x128xf32, #tpu.memory_space<vmem>>) offsets(%dma_start3A_235 : memref<128xi32, #tpu.memory_space<vmem>>) semaphore(%arg16 : memref<!tpu.dma_semaphore, #tpu.memory_space<semaphore_mem>>)
        %dma_start3A_239 = arith.constant 0 : i32
        %dma_start3A_240 = arith.constant 0 : i32
        %dma_start3A_241 = tpu.memref_slice %arg14[%select_n3A_112, %dma_start3A_239, %dma_start3A_240] : memref<2x128x128xf32, #tpu.memory_space<vmem>> -> memref<1x128x128xf32, #tpu.memory_space<vmem>>
        %dma_start3A_242 = tpu.memref_squeeze %dma_start3A_241 : memref<1x128x128xf32, #tpu.memory_space<vmem>> -> memref<128x128xf32, #tpu.memory_space<vmem>>
        %dma_start3A_243 = arith.constant 0 : i32
        %dma_start3A_244 = tpu.memref_slice %arg10[%add3A_218, %dma_start3A_243] : memref<100x128xi32, #tpu.memory_space<vmem>> -> memref<1x128xi32, #tpu.memory_space<vmem>>
        %dma_start3A_245 = tpu.memref_squeeze %dma_start3A_244 : memref<1x128xi32, #tpu.memory_space<vmem>> -> memref<128xi32, #tpu.memory_space<vmem>>
        %dma_start3A_246 = arith.constant 0 : i32
        %dma_start3A_247 = arith.constant 0 : i32
        %dma_start3A_248 = tpu.memref_slice %arg6[%dma_start3A_246, %dma_start3A_247] : memref<2000x128xf32, #tpu.memory_space<hbm>> -> memref<2000x128xf32, #tpu.memory_space<hbm>>
        tpu.enqueue_indirect_dma source(%dma_start3A_248 : memref<2000x128xf32, #tpu.memory_space<hbm>>) target(%dma_start3A_242 : memref<128x128xf32, #tpu.memory_space<vmem>>) offsets(%dma_start3A_245 : memref<128xi32, #tpu.memory_space<vmem>>) semaphore(%arg17 : memref<!tpu.dma_semaphore, #tpu.memory_space<semaphore_mem>>)
      } else {
      }
      %dma_wait3A_120 = arith.constant 0 : i32
      %dma_wait3A_121 = arith.constant 0 : i32
      %dma_wait3A_122 = tpu.memref_slice %arg12[%select_n3A_94, %dma_wait3A_120, %dma_wait3A_121] : memref<2x64x128xf32, #tpu.memory_space<vmem>> -> memref<1x64x128xf32, #tpu.memory_space<vmem>>
      %dma_wait3A_123 = tpu.memref_squeeze %dma_wait3A_122 : memref<1x64x128xf32, #tpu.memory_space<vmem>> -> memref<64x128xf32, #tpu.memory_space<vmem>>
      %dma_wait3A_124 = arith.constant 0 : i32
      %dma_wait3A_125 = arith.constant 0 : i32
      %dma_wait3A_126 = tpu.memref_slice %arg4[%dma_wait3A_124, %dma_wait3A_125] : memref<1000x128xf32, #tpu.memory_space<hbm>> -> memref<64x128xf32, #tpu.memory_space<hbm>>
      %dma_wait3A_127 = arith.constant 0 : i32
      %dma_wait3A_128 = arith.constant 0 : i32
      %dma_wait3A_129 = tpu.memref_slice %arg12[%select_n3A_94, %dma_wait3A_127, %dma_wait3A_128] : memref<2x64x128xf32, #tpu.memory_space<vmem>> -> memref<1x64x128xf32, #tpu.memory_space<vmem>>
      %dma_wait3A_130 = tpu.memref_squeeze %dma_wait3A_129 : memref<1x64x128xf32, #tpu.memory_space<vmem>> -> memref<64x128xf32, #tpu.memory_space<vmem>>
      %dma_wait3A_131 = arith.constant 0 : i32
      %dma_wait3A_132 = arith.constant 0 : i32
      %dma_wait3A_133 = tpu.memref_slice %arg4[%dma_wait3A_131, %dma_wait3A_132] : memref<1000x128xf32, #tpu.memory_space<hbm>> -> memref<64x128xf32, #tpu.memory_space<hbm>>
      tpu.wait_dma2 semaphore(%arg15 : memref<!tpu.dma_semaphore, #tpu.memory_space<semaphore_mem>>) src(%dma_wait3A_133 : memref<64x128xf32, #tpu.memory_space<hbm>>) dst(%dma_wait3A_130 : memref<64x128xf32, #tpu.memory_space<vmem>>)
      %mul3A_134 = arith.constant 6400 : i32
      %mul3A_135 = arith.muli %add3A, %mul3A_134 : i32
      %mul3A_136 = arith.constant 64 : i32
      %mul3A_137 = arith.muli %scan3A_85, %mul3A_136 : i32
      %add3A_138 = arith.addi %mul3A_135, %mul3A_137 : i32
      %dma_start3A_139 = arith.constant 0 : i32
      %dma_start3A_140 = arith.constant 0 : i32
      %dma_start3A_141 = tpu.memref_slice %arg12[%select_n3A_94, %dma_start3A_139, %dma_start3A_140] : memref<2x64x128xf32, #tpu.memory_space<vmem>> -> memref<1x64x128xf32, #tpu.memory_space<vmem>>
      %dma_start3A_142 = tpu.memref_squeeze %dma_start3A_141 : memref<1x64x128xf32, #tpu.memory_space<vmem>> -> memref<64x128xf32, #tpu.memory_space<vmem>>
      %dma_start3A_143 = arith.constant 0 : i32
      %dma_start3A_144 = tpu.memref_slice %arg7[%add3A_138, %dma_start3A_143] : memref<204800x128xf32, #tpu.memory_space<hbm>> -> memref<64x128xf32, #tpu.memory_space<hbm>>
      %dma_start3A_145 = arith.constant 0 : i32
      %dma_start3A_146 = tpu.memref_slice %arg7[%add3A_138, %dma_start3A_145] : memref<204800x128xf32, #tpu.memory_space<hbm>> -> memref<64x128xf32, #tpu.memory_space<hbm>>
      %dma_start3A_147 = arith.constant 0 : i32
      %dma_start3A_148 = arith.constant 0 : i32
      %dma_start3A_149 = tpu.memref_slice %arg12[%select_n3A_94, %dma_start3A_147, %dma_start3A_148] : memref<2x64x128xf32, #tpu.memory_space<vmem>> -> memref<1x64x128xf32, #tpu.memory_space<vmem>>
      %dma_start3A_150 = tpu.memref_squeeze %dma_start3A_149 : memref<1x64x128xf32, #tpu.memory_space<vmem>> -> memref<64x128xf32, #tpu.memory_space<vmem>>
      tpu.enqueue_dma source(%dma_start3A_150 : memref<64x128xf32, #tpu.memory_space<vmem>>) target(%dma_start3A_146 : memref<64x128xf32, #tpu.memory_space<hbm>>) target_semaphore(%arg18 : memref<!tpu.dma_semaphore, #tpu.memory_space<semaphore_mem>>)
      %dma_wait3A_151 = arith.constant 0 : i32
      %dma_wait3A_152 = arith.constant 0 : i32
      %dma_wait3A_153 = tpu.memref_slice %arg13[%select_n3A_94, %dma_wait3A_151, %dma_wait3A_152] : memref<2x128x128xf32, #tpu.memory_space<vmem>> -> memref<1x128x128xf32, #tpu.memory_space<vmem>>
      %dma_wait3A_154 = tpu.memref_squeeze %dma_wait3A_153 : memref<1x128x128xf32, #tpu.memory_space<vmem>> -> memref<128x128xf32, #tpu.memory_space<vmem>>
      %dma_wait3A_155 = arith.constant 0 : i32
      %dma_wait3A_156 = arith.constant 0 : i32
      %dma_wait3A_157 = tpu.memref_slice %arg5[%dma_wait3A_155, %dma_wait3A_156] : memref<2000x128xf32, #tpu.memory_space<hbm>> -> memref<128x128xf32, #tpu.memory_space<hbm>>
      %dma_wait3A_158 = arith.constant 0 : i32
      %dma_wait3A_159 = arith.constant 0 : i32
      %dma_wait3A_160 = tpu.memref_slice %arg13[%select_n3A_94, %dma_wait3A_158, %dma_wait3A_159] : memref<2x128x128xf32, #tpu.memory_space<vmem>> -> memref<1x128x128xf32, #tpu.memory_space<vmem>>
      %dma_wait3A_161 = tpu.memref_squeeze %dma_wait3A_160 : memref<1x128x128xf32, #tpu.memory_space<vmem>> -> memref<128x128xf32, #tpu.memory_space<vmem>>
      %dma_wait3A_162 = arith.constant 0 : i32
      %dma_wait3A_163 = arith.constant 0 : i32
      %dma_wait3A_164 = tpu.memref_slice %arg5[%dma_wait3A_162, %dma_wait3A_163] : memref<2000x128xf32, #tpu.memory_space<hbm>> -> memref<128x128xf32, #tpu.memory_space<hbm>>
      tpu.wait_dma2 semaphore(%arg16 : memref<!tpu.dma_semaphore, #tpu.memory_space<semaphore_mem>>) src(%dma_wait3A_164 : memref<128x128xf32, #tpu.memory_space<hbm>>) dst(%dma_wait3A_161 : memref<128x128xf32, #tpu.memory_space<vmem>>)
      %mul3A_165 = arith.constant 6400 : i32
      %mul3A_166 = arith.muli %add3A, %mul3A_165 : i32
      %mul3A_167 = arith.constant 64 : i32
      %mul3A_168 = arith.muli %scan3A_85, %mul3A_167 : i32
      %add3A_169 = arith.addi %mul3A_166, %mul3A_168 : i32
      %mul3A_170 = arith.constant 2 : i32
      %mul3A_171 = arith.muli %mul3A_170, %add3A_169 : i32
      %dma_start3A_172 = arith.constant 0 : i32
      %dma_start3A_173 = arith.constant 0 : i32
      %dma_start3A_174 = tpu.memref_slice %arg13[%select_n3A_94, %dma_start3A_172, %dma_start3A_173] : memref<2x128x128xf32, #tpu.memory_space<vmem>> -> memref<1x128x128xf32, #tpu.memory_space<vmem>>
      %dma_start3A_175 = tpu.memref_squeeze %dma_start3A_174 : memref<1x128x128xf32, #tpu.memory_space<vmem>> -> memref<128x128xf32, #tpu.memory_space<vmem>>
      %dma_start3A_176 = arith.constant 0 : i32
      %dma_start3A_177 = tpu.memref_slice %arg8[%mul3A_171, %dma_start3A_176] : memref<409600x128xf32, #tpu.memory_space<hbm>> -> memref<128x128xf32, #tpu.memory_space<hbm>>
      %dma_start3A_178 = arith.constant 0 : i32
      %dma_start3A_179 = tpu.memref_slice %arg8[%mul3A_171, %dma_start3A_178] : memref<409600x128xf32, #tpu.memory_space<hbm>> -> memref<128x128xf32, #tpu.memory_space<hbm>>
      %dma_start3A_180 = arith.constant 0 : i32
      %dma_start3A_181 = arith.constant 0 : i32
      %dma_start3A_182 = tpu.memref_slice %arg13[%select_n3A_94, %dma_start3A_180, %dma_start3A_181] : memref<2x128x128xf32, #tpu.memory_space<vmem>> -> memref<1x128x128xf32, #tpu.memory_space<vmem>>
      %dma_start3A_183 = tpu.memref_squeeze %dma_start3A_182 : memref<1x128x128xf32, #tpu.memory_space<vmem>> -> memref<128x128xf32, #tpu.memory_space<vmem>>
      tpu.enqueue_dma source(%dma_start3A_183 : memref<128x128xf32, #tpu.memory_space<vmem>>) target(%dma_start3A_179 : memref<128x128xf32, #tpu.memory_space<hbm>>) target_semaphore(%arg19 : memref<!tpu.dma_semaphore, #tpu.memory_space<semaphore_mem>>)
      %dma_wait3A_184 = arith.constant 0 : i32
      %dma_wait3A_185 = arith.constant 0 : i32
      %dma_wait3A_186 = tpu.memref_slice %arg14[%select_n3A_94, %dma_wait3A_184, %dma_wait3A_185] : memref<2x128x128xf32, #tpu.memory_space<vmem>> -> memref<1x128x128xf32, #tpu.memory_space<vmem>>
      %dma_wait3A_187 = tpu.memref_squeeze %dma_wait3A_186 : memref<1x128x128xf32, #tpu.memory_space<vmem>> -> memref<128x128xf32, #tpu.memory_space<vmem>>
      %dma_wait3A_188 = arith.constant 0 : i32
      %dma_wait3A_189 = arith.constant 0 : i32
      %dma_wait3A_190 = tpu.memref_slice %arg6[%dma_wait3A_188, %dma_wait3A_189] : memref<2000x128xf32, #tpu.memory_space<hbm>> -> memref<128x128xf32, #tpu.memory_space<hbm>>
      %dma_wait3A_191 = arith.constant 0 : i32
      %dma_wait3A_192 = arith.constant 0 : i32
      %dma_wait3A_193 = tpu.memref_slice %arg14[%select_n3A_94, %dma_wait3A_191, %dma_wait3A_192] : memref<2x128x128xf32, #tpu.memory_space<vmem>> -> memref<1x128x128xf32, #tpu.memory_space<vmem>>
      %dma_wait3A_194 = tpu.memref_squeeze %dma_wait3A_193 : memref<1x128x128xf32, #tpu.memory_space<vmem>> -> memref<128x128xf32, #tpu.memory_space<vmem>>
      %dma_wait3A_195 = arith.constant 0 : i32
      %dma_wait3A_196 = arith.constant 0 : i32
      %dma_wait3A_197 = tpu.memref_slice %arg6[%dma_wait3A_195, %dma_wait3A_196] : memref<2000x128xf32, #tpu.memory_space<hbm>> -> memref<128x128xf32, #tpu.memory_space<hbm>>
      tpu.wait_dma2 semaphore(%arg17 : memref<!tpu.dma_semaphore, #tpu.memory_space<semaphore_mem>>) src(%dma_wait3A_197 : memref<128x128xf32, #tpu.memory_space<hbm>>) dst(%dma_wait3A_194 : memref<128x128xf32, #tpu.memory_space<vmem>>)
      %mul3A_198 = arith.constant 6400 : i32
      %mul3A_199 = arith.muli %add3A, %mul3A_198 : i32
      %mul3A_200 = arith.constant 64 : i32
      %mul3A_201 = arith.muli %scan3A_85, %mul3A_200 : i32
      %add3A_202 = arith.addi %mul3A_199, %mul3A_201 : i32
      %mul3A_203 = arith.constant 2 : i32
      %mul3A_204 = arith.muli %mul3A_203, %add3A_202 : i32
      %dma_start3A_205 = arith.constant 0 : i32
      %dma_start3A_206 = arith.constant 0 : i32
      %dma_start3A_207 = tpu.memref_slice %arg14[%select_n3A_94, %dma_start3A_205, %dma_start3A_206] : memref<2x128x128xf32, #tpu.memory_space<vmem>> -> memref<1x128x128xf32, #tpu.memory_space<vmem>>
      %dma_start3A_208 = tpu.memref_squeeze %dma_start3A_207 : memref<1x128x128xf32, #tpu.memory_space<vmem>> -> memref<128x128xf32, #tpu.memory_space<vmem>>
      %dma_start3A_209 = arith.constant 0 : i32
      %dma_start3A_210 = tpu.memref_slice %arg9[%mul3A_204, %dma_start3A_209] : memref<409600x128xf32, #tpu.memory_space<hbm>> -> memref<128x128xf32, #tpu.memory_space<hbm>>
      %dma_start3A_211 = arith.constant 0 : i32
      %dma_start3A_212 = tpu.memref_slice %arg9[%mul3A_204, %dma_start3A_211] : memref<409600x128xf32, #tpu.memory_space<hbm>> -> memref<128x128xf32, #tpu.memory_space<hbm>>
      %dma_start3A_213 = arith.constant 0 : i32
      %dma_start3A_214 = arith.constant 0 : i32
      %dma_start3A_215 = tpu.memref_slice %arg14[%select_n3A_94, %dma_start3A_213, %dma_start3A_214] : memref<2x128x128xf32, #tpu.memory_space<vmem>> -> memref<1x128x128xf32, #tpu.memory_space<vmem>>
      %dma_start3A_216 = tpu.memref_squeeze %dma_start3A_215 : memref<1x128x128xf32, #tpu.memory_space<vmem>> -> memref<128x128xf32, #tpu.memory_space<vmem>>
      tpu.enqueue_dma source(%dma_start3A_216 : memref<128x128xf32, #tpu.memory_space<vmem>>) target(%dma_start3A_212 : memref<128x128xf32, #tpu.memory_space<hbm>>) target_semaphore(%arg20 : memref<!tpu.dma_semaphore, #tpu.memory_space<semaphore_mem>>)
    }
    %scan3A_40 = arith.constant 100 : i32
    %dma_wait3A = arith.constant 1 : i32
    %dma_wait3A_41 = arith.constant 0 : i32
    %dma_wait3A_42 = arith.constant 0 : i32
    %dma_wait3A_43 = tpu.memref_slice %arg12[%dma_wait3A, %dma_wait3A_41, %dma_wait3A_42] : memref<2x64x128xf32, #tpu.memory_space<vmem>> -> memref<1x64x128xf32, #tpu.memory_space<vmem>>
    %dma_wait3A_44 = tpu.memref_squeeze %dma_wait3A_43 : memref<1x64x128xf32, #tpu.memory_space<vmem>> -> memref<64x128xf32, #tpu.memory_space<vmem>>
    %dma_wait3A_45 = arith.constant 0 : i32
    %dma_wait3A_46 = arith.constant 0 : i32
    %dma_wait3A_47 = tpu.memref_slice %arg7[%dma_wait3A_45, %dma_wait3A_46] : memref<204800x128xf32, #tpu.memory_space<hbm>> -> memref<64x128xf32, #tpu.memory_space<hbm>>
    %dma_wait3A_48 = arith.constant 0 : i32
    %dma_wait3A_49 = arith.constant 0 : i32
    %dma_wait3A_50 = tpu.memref_slice %arg7[%dma_wait3A_48, %dma_wait3A_49] : memref<204800x128xf32, #tpu.memory_space<hbm>> -> memref<64x128xf32, #tpu.memory_space<hbm>>
    %dma_wait3A_51 = arith.constant 0 : i32
    %dma_wait3A_52 = arith.constant 0 : i32
    %dma_wait3A_53 = tpu.memref_slice %arg12[%dma_wait3A, %dma_wait3A_51, %dma_wait3A_52] : memref<2x64x128xf32, #tpu.memory_space<vmem>> -> memref<1x64x128xf32, #tpu.memory_space<vmem>>
    %dma_wait3A_54 = tpu.memref_squeeze %dma_wait3A_53 : memref<1x64x128xf32, #tpu.memory_space<vmem>> -> memref<64x128xf32, #tpu.memory_space<vmem>>
    tpu.wait_dma2 semaphore(%arg18 : memref<!tpu.dma_semaphore, #tpu.memory_space<semaphore_mem>>) src(%dma_wait3A_54 : memref<64x128xf32, #tpu.memory_space<vmem>>) dst(%dma_wait3A_50 : memref<64x128xf32, #tpu.memory_space<hbm>>)
    %dma_wait3A_55 = arith.constant 1 : i32
    %dma_wait3A_56 = arith.constant 0 : i32
    %dma_wait3A_57 = arith.constant 0 : i32
    %dma_wait3A_58 = tpu.memref_slice %arg13[%dma_wait3A_55, %dma_wait3A_56, %dma_wait3A_57] : memref<2x128x128xf32, #tpu.memory_space<vmem>> -> memref<1x128x128xf32, #tpu.memory_space<vmem>>
    %dma_wait3A_59 = tpu.memref_squeeze %dma_wait3A_58 : memref<1x128x128xf32, #tpu.memory_space<vmem>> -> memref<128x128xf32, #tpu.memory_space<vmem>>
    %dma_wait3A_60 = arith.constant 0 : i32
    %dma_wait3A_61 = arith.constant 0 : i32
    %dma_wait3A_62 = tpu.memref_slice %arg8[%dma_wait3A_60, %dma_wait3A_61] : memref<409600x128xf32, #tpu.memory_space<hbm>> -> memref<128x128xf32, #tpu.memory_space<hbm>>
    %dma_wait3A_63 = arith.constant 0 : i32
    %dma_wait3A_64 = arith.constant 0 : i32
    %dma_wait3A_65 = tpu.memref_slice %arg8[%dma_wait3A_63, %dma_wait3A_64] : memref<409600x128xf32, #tpu.memory_space<hbm>> -> memref<128x128xf32, #tpu.memory_space<hbm>>
    %dma_wait3A_66 = arith.constant 0 : i32
    %dma_wait3A_67 = arith.constant 0 : i32
    %dma_wait3A_68 = tpu.memref_slice %arg13[%dma_wait3A_55, %dma_wait3A_66, %dma_wait3A_67] : memref<2x128x128xf32, #tpu.memory_space<vmem>> -> memref<1x128x128xf32, #tpu.memory_space<vmem>>
    %dma_wait3A_69 = tpu.memref_squeeze %dma_wait3A_68 : memref<1x128x128xf32, #tpu.memory_space<vmem>> -> memref<128x128xf32, #tpu.memory_space<vmem>>
    tpu.wait_dma2 semaphore(%arg19 : memref<!tpu.dma_semaphore, #tpu.memory_space<semaphore_mem>>) src(%dma_wait3A_69 : memref<128x128xf32, #tpu.memory_space<vmem>>) dst(%dma_wait3A_65 : memref<128x128xf32, #tpu.memory_space<hbm>>)
    %dma_wait3A_70 = arith.constant 1 : i32
    %dma_wait3A_71 = arith.constant 0 : i32
    %dma_wait3A_72 = arith.constant 0 : i32
    %dma_wait3A_73 = tpu.memref_slice %arg14[%dma_wait3A_70, %dma_wait3A_71, %dma_wait3A_72] : memref<2x128x128xf32, #tpu.memory_space<vmem>> -> memref<1x128x128xf32, #tpu.memory_space<vmem>>
    %dma_wait3A_74 = tpu.memref_squeeze %dma_wait3A_73 : memref<1x128x128xf32, #tpu.memory_space<vmem>> -> memref<128x128xf32, #tpu.memory_space<vmem>>
    %dma_wait3A_75 = arith.constant 0 : i32
    %dma_wait3A_76 = arith.constant 0 : i32
    %dma_wait3A_77 = tpu.memref_slice %arg9[%dma_wait3A_75, %dma_wait3A_76] : memref<409600x128xf32, #tpu.memory_space<hbm>> -> memref<128x128xf32, #tpu.memory_space<hbm>>
    %dma_wait3A_78 = arith.constant 0 : i32
    %dma_wait3A_79 = arith.constant 0 : i32
    %dma_wait3A_80 = tpu.memref_slice %arg9[%dma_wait3A_78, %dma_wait3A_79] : memref<409600x128xf32, #tpu.memory_space<hbm>> -> memref<128x128xf32, #tpu.memory_space<hbm>>
    %dma_wait3A_81 = arith.constant 0 : i32
    %dma_wait3A_82 = arith.constant 0 : i32
    %dma_wait3A_83 = tpu.memref_slice %arg14[%dma_wait3A_70, %dma_wait3A_81, %dma_wait3A_82] : memref<2x128x128xf32, #tpu.memory_space<vmem>> -> memref<1x128x128xf32, #tpu.memory_space<vmem>>
    %dma_wait3A_84 = tpu.memref_squeeze %dma_wait3A_83 : memref<1x128x128xf32, #tpu.memory_space<vmem>> -> memref<128x128xf32, #tpu.memory_space<vmem>>
    tpu.wait_dma2 semaphore(%arg20 : memref<!tpu.dma_semaphore, #tpu.memory_space<semaphore_mem>>) src(%dma_wait3A_84 : memref<128x128xf32, #tpu.memory_space<vmem>>) dst(%dma_wait3A_80 : memref<128x128xf32, #tpu.memory_space<hbm>>)
    return
  }
}

module attributes {stable_mosaic.version = 14 : i64} {
  func.func @_prep_body(%arg0: memref<4096x50xi32, #tpu.memory_space<vmem>>, %arg1: memref<1000x128xf32, #tpu.memory_space<vmem>>, %arg2: memref<1000x128xf32, #tpu.memory_space<vmem>>, %arg3: memref<1000x128xf32, #tpu.memory_space<vmem>>, %arg4: memref<2000x128xf32, #tpu.memory_space<vmem>>, %arg5: memref<2000x128xf32, #tpu.memory_space<vmem>>, %arg6: memref<4096x100xi32, #tpu.memory_space<vmem>>) attributes {dimension_semantics = [], scalar_prefetch = 0 : i64, scratch_operands = 0 : i64, tpu.core_type = #tpu.core_type<tc>} {
    %get3A = arith.constant 0 : index
    %get3A_0 = arith.constant 0 : index
    %get3A_1 = vector.load %arg1[%get3A, %get3A_0] : memref<1000x128xf32, #tpu.memory_space<vmem>>, vector<1000x128xf32>
    %get3A_2 = arith.constant 0 : index
    %get3A_3 = arith.constant 0 : index
    %get3A_4 = vector.load %arg2[%get3A_2, %get3A_3] : memref<1000x128xf32, #tpu.memory_space<vmem>>, vector<1000x128xf32>
    %tanh3A = math.tanh %get3A_1 : vector<1000x128xf32>
    %tanh3A_5 = math.tanh %get3A_4 : vector<1000x128xf32>
    %sub3A = arith.subf %tanh3A_5, %tanh3A : vector<1000x128xf32>
    %exp3A = math.exp %sub3A : vector<1000x128xf32>
    %add3A = arith.constant 1.000000e+00 : f32
    %add3A_6 = vector.broadcast %add3A : f32 to vector<1000x128xf32>
    %add3A_7 = arith.addf %add3A_6, %exp3A : vector<1000x128xf32>
    %div3A = arith.constant 1.000000e+00 : f32
    %div3A_8 = vector.broadcast %div3A : f32 to vector<1000x128xf32>
    %div3A_9 = arith.divf %div3A_8, %add3A_7 : vector<1000x128xf32>
    %sub3A_10 = arith.constant 1.000000e+00 : f32
    %sub3A_11 = vector.broadcast %sub3A_10 : f32 to vector<1000x128xf32>
    %sub3A_12 = arith.subf %sub3A_11, %div3A_9 : vector<1000x128xf32>
    %mul3A = arith.mulf %get3A_1, %div3A_9 : vector<1000x128xf32>
    %mul3A_13 = arith.mulf %get3A_4, %sub3A_12 : vector<1000x128xf32>
    %add3A_14 = arith.addf %mul3A, %mul3A_13 : vector<1000x128xf32>
    %swap3A = arith.constant 0 : index
    %swap3A_15 = arith.constant 0 : index
    %swap3A_16 = vector.load %arg3[%swap3A, %swap3A_15] : memref<1000x128xf32, #tpu.memory_space<vmem>>, vector<1000x128xf32>
    tpu.vector_store %arg3[%swap3A, %swap3A_15], %add3A_14 {strides = array<i32>} : memref<1000x128xf32, #tpu.memory_space<vmem>>, vector<1000x128xf32>,
    %swap3A_17 = arith.constant 0 : index
    %swap3A_18 = arith.constant 0 : index
    %swap3A_19 = vector.load %arg4[%swap3A_17, %swap3A_18] : memref<2000x128xf32, #tpu.memory_space<vmem>>, vector<1000x128xf32>
    tpu.vector_store %arg4[%swap3A_17, %swap3A_18], %get3A_1 {strides = array<i32>} : memref<2000x128xf32, #tpu.memory_space<vmem>>, vector<1000x128xf32>,
    %swap3A_20 = arith.constant 1000 : index
    %swap3A_21 = arith.constant 0 : index
    %swap3A_22 = vector.load %arg4[%swap3A_20, %swap3A_21] : memref<2000x128xf32, #tpu.memory_space<vmem>>, vector<1000x128xf32>
    tpu.vector_store %arg4[%swap3A_20, %swap3A_21], %get3A_4 {strides = array<i32>} : memref<2000x128xf32, #tpu.memory_space<vmem>>, vector<1000x128xf32>,
    %swap3A_23 = arith.constant 0 : index
    %swap3A_24 = arith.constant 0 : index
    %swap3A_25 = vector.load %arg5[%swap3A_23, %swap3A_24] : memref<2000x128xf32, #tpu.memory_space<vmem>>, vector<1000x128xf32>
    tpu.vector_store %arg5[%swap3A_23, %swap3A_24], %div3A_9 {strides = array<i32>} : memref<2000x128xf32, #tpu.memory_space<vmem>>, vector<1000x128xf32>,
    %swap3A_26 = arith.constant 1000 : index
    %swap3A_27 = arith.constant 0 : index
    %swap3A_28 = vector.load %arg5[%swap3A_26, %swap3A_27] : memref<2000x128xf32, #tpu.memory_space<vmem>>, vector<1000x128xf32>
    tpu.vector_store %arg5[%swap3A_26, %swap3A_27], %sub3A_12 {strides = array<i32>} : memref<2000x128xf32, #tpu.memory_space<vmem>>, vector<1000x128xf32>,
    %iota3A = tpu.iota {dimensions = array<i32: 0>} : vector<50x100xi32>
    %iota3A_29 = tpu.iota {dimensions = array<i32: 1>} : vector<50x100xi32>
    %jit3A = arith.constant 2 : i32
    %div3A_30 = vector.broadcast %jit3A : i32 to vector<50x100xi32>
    %div3A_31 = arith.divsi %iota3A_29, %div3A_30 : vector<50x100xi32>
    %sign3A = arith.constant 0 : i32
    %sign3A_32 = vector.broadcast %sign3A : i32 to vector<50x100xi32>
    %sign3A_33 = arith.cmpi sgt, %iota3A_29, %sign3A_32 : vector<50x100xi32>
    %sign3A_34 = arith.extui %sign3A_33 : vector<50x100xi1> to vector<50x100xi32>
    %sign3A_35 = arith.constant 0 : i32
    %sign3A_36 = vector.broadcast %sign3A_35 : i32 to vector<50x100xi32>
    %sign3A_37 = arith.cmpi slt, %iota3A_29, %sign3A_36 : vector<50x100xi32>
    %sign3A_38 = arith.extui %sign3A_37 : vector<50x100xi1> to vector<50x100xi32>
    %sign3A_39 = arith.subi %sign3A_34, %sign3A_38 : vector<50x100xi32>
    %sign3A_40 = arith.constant 0 : i32
    %sign3A_41 = arith.cmpi sgt, %jit3A, %sign3A_40 : i32
    %sign3A_42 = arith.extui %sign3A_41 : i1 to i32
    %sign3A_43 = arith.constant 0 : i32
    %sign3A_44 = arith.cmpi slt, %jit3A, %sign3A_43 : i32
    %sign3A_45 = arith.extui %sign3A_44 : i1 to i32
    %sign3A_46 = arith.subi %sign3A_42, %sign3A_45 : i32
    %ne3A = vector.broadcast %sign3A_46 : i32 to vector<50x100xi32>
    %ne3A_47 = arith.cmpi ne, %sign3A_39, %ne3A : vector<50x100xi32>
    %rem3A = vector.broadcast %jit3A : i32 to vector<50x100xi32>
    %rem3A_48 = arith.remsi %iota3A_29, %rem3A : vector<50x100xi32>
    %ne3A_49 = arith.constant 0 : i32
    %ne3A_50 = vector.broadcast %ne3A_49 : i32 to vector<50x100xi32>
    %ne3A_51 = arith.cmpi ne, %rem3A_48, %ne3A_50 : vector<50x100xi32>
    %and3A = arith.andi %ne3A_47, %ne3A_51 : vector<50x100xi1>
    %sub3A_52 = arith.constant 1 : i32
    %sub3A_53 = vector.broadcast %sub3A_52 : i32 to vector<50x100xi32>
    %sub3A_54 = arith.subi %div3A_31, %sub3A_53 : vector<50x100xi32>
    %select_n3A = arith.select %and3A, %sub3A_54, %div3A_31 : vector<50x100xi1>, vector<50x100xi32>
    %eq3A = arith.cmpi eq, %select_n3A, %iota3A : vector<50x100xi32>
    %convert_element_type3A = arith.extui %eq3A : vector<50x100xi1> to vector<50x100xi32>
    %convert_element_type3A_55 = arith.sitofp %convert_element_type3A : vector<50x100xi32> to vector<50x100xf32>
    %get3A_56 = arith.constant 0 : index
    %get3A_57 = arith.constant 0 : index
    %get3A_58 = vector.load %arg0[%get3A_56, %get3A_57] : memref<4096x50xi32, #tpu.memory_space<vmem>>, vector<4096x50xi32>
    %convert_element_type3A_59 = arith.sitofp %get3A_58 : vector<4096x50xi32> to vector<4096x50xf32>
    %dot_general3A = arith.constant dense<0.000000e+00> : vector<4096x100xf32>
    %dot_general3A_60 = tpu.matmul %convert_element_type3A_59, %convert_element_type3A_55, %dot_general3A {dimension_numbers = #tpu.dot_dimension_numbers<[1], [0], [0], [1], [0, 0, 1, 1], [], []>, precision = #tpu.contract_precision<fp32>, transpose_lhs_hint = false} : vector<4096x50xf32>, vector<50x100xf32>, vector<4096x100xf32> -> vector<4096x100xf32>
    %iota3A_61 = tpu.iota {dimensions = array<i32: 1>} : vector<4096x100xi32>
    %jit3A_62 = arith.constant 2 : i32
    %eq3A_63 = arith.constant 0 : i32
    %eq3A_64 = arith.cmpi eq, %jit3A_62, %eq3A_63 : i32
    %jit3A_65 = arith.constant 1 : i32
    %select_n3A_66 = arith.select %eq3A_64, %jit3A_65, %jit3A_62 : i32
    %rem3A_67 = vector.broadcast %select_n3A_66 : i32 to vector<4096x100xi32>
    %rem3A_68 = arith.remsi %iota3A_61, %rem3A_67 : vector<4096x100xi32>
    %ne3A_69 = arith.constant 0 : i32
    %ne3A_70 = vector.broadcast %ne3A_69 : i32 to vector<4096x100xi32>
    %ne3A_71 = arith.cmpi ne, %rem3A_68, %ne3A_70 : vector<4096x100xi32>
    %lt3A = arith.constant 0 : i32
    %lt3A_72 = vector.broadcast %lt3A : i32 to vector<4096x100xi32>
    %lt3A_73 = arith.cmpi slt, %rem3A_68, %lt3A_72 : vector<4096x100xi32>
    %lt3A_74 = arith.constant 0 : i32
    %lt3A_75 = arith.cmpi slt, %select_n3A_66, %lt3A_74 : i32
    %ne3A_76 = vector.broadcast %lt3A_75 : i1 to vector<4096x100xi1>
    %ne3A_77 = vector.broadcast %ne3A_76 : vector<4096x100xi1> to vector<4096x100xi1>
    %ne3A_78 = arith.xori %lt3A_73, %ne3A_77 : vector<4096x100xi1>
    %and3A_79 = arith.andi %ne3A_78, %ne3A_71 : vector<4096x100xi1>
    %add3A_80 = vector.broadcast %select_n3A_66 : i32 to vector<4096x100xi32>
    %add3A_81 = arith.addi %rem3A_68, %add3A_80 : vector<4096x100xi32>
    %select_n3A_82 = arith.select %and3A_79, %add3A_81, %rem3A_68 : vector<4096x100xi1>, vector<4096x100xi32>
    %mul3A_83 = arith.constant 1000 : i32
    %mul3A_84 = vector.broadcast %mul3A_83 : i32 to vector<4096x100xi32>
    %mul3A_85 = arith.muli %select_n3A_82, %mul3A_84 : vector<4096x100xi32>
    %convert_element_type3A_86 = arith.fptosi %dot_general3A_60 : vector<4096x100xf32> to vector<4096x100xi32>
    %add3A_87 = arith.addi %convert_element_type3A_86, %mul3A_85 : vector<4096x100xi32>
    %swap3A_88 = arith.constant 0 : index
    %swap3A_89 = arith.constant 0 : index
    %swap3A_90 = vector.load %arg6[%swap3A_88, %swap3A_89] : memref<4096x100xi32, #tpu.memory_space<vmem>>, vector<4096x100xi32>
    tpu.vector_store %arg6[%swap3A_88, %swap3A_89], %add3A_87 {strides = array<i32>} : memref<4096x100xi32, #tpu.memory_space<vmem>>, vector<4096x100xi32>,
    return
  }
}

</mosaic_0001>

<sc_bundles>
// kernel: kernel.4.cloned.1.call-start
scs
__scs_entry_jumppad:
0x0: {  	(pc) =	sbr.rel $0x88, $3  }
0x1: {  	(tag) =	ssettag $0x0;
	lr =	simm.s32 $0x1  }
0x2: {  	[smem:$0x3F9E] =	sst lr;
	_ =	strace $0xD0000000  }
0x3: {  	_ = 	snop  }
0x4: {  	_ = 	snop  }
0x5: {  	_ = 	snop  }
0x6: {  	_ = 	snop  }
0x7: {  	_ = 	snop  }
__scs_overlays_trampoline_lowered:
0x8: {  	[smem:$0x3FAD] =	sst s0  }
0x9: {  	[smem:$0x3FAE] =	sst s1  }
0xa: {  	[smem:$0x3FAF] =	sst s2  }
0xb: {  	[smem:$0x3FB0] =	sst s3  }
0xc: {  	[smem:$0x3FB1] =	sst s4  }
0xd: {  	[smem:$0x3FB2] =	sst s5  }
0xe: {  	[smem:$0x3FB3] =	sst s6  }
0xf: {  	[smem:$0x3FB4] =	sst s7  }
0x10: {  	[smem:$0x3FB5] =	sst s8  }
0x11: {  	[smem:$0x3FB6] =	sst s9;
	s0 =	simm.s32 @!p0 $0x0  }
0x12: {  	s1 =	sld [smem:$0x3F9C];
	s0 =	simm.s32 @p0 $0x1  }
0x13: {  	[smem:$0x3FB7] =	sst s0;
	s0 =	simm.s32 @!p1 $0x0  }
0x14: {  	s2 =	sld [smem:$0x3F9B];
	s0 =	simm.s32 @p1 $0x1  }
0x15: {  	[smem:$0x3FB8] =	sst s0;
	s0 =	simm.s32 @!p2 $0x0  }
0x16: {  	s3 =	sld [smem:$0x3FDB];
	s0 =	simm.s32 @p2 $0x1  }
0x17: {  	s4 =	simm.s32 $0x1BF5;
	[smem:$0x3FBA] =	sst s0  }
0x18: {  	s0 =	sld [smem:$0x3F9D];
	_ =	swait.ge [sflag:s4], $0x0  }
0x19: {  	s7 =	sld [smem:$0x3F9E]  }
0x1a: {  	s8 =	sadd.s32 $0xFFFFE003, lr  }
0x1b: {  	s9 =	sadd.s32 $0xFFFFFEF7, lr;
	s5 =	simm.s32 $0xFFFFFFFF;
	p2 =	slt.u32 s8, $0xFFFFF086  }
0x1c: {  	p1 =	slt.u32 s9, $0xF7A;
	s5 =	simm.s32 @!p2 $0x0  }
0x1d: {  	s5 =	simm.s32 @p1 $0x1;
	p0 =	seq.s32 s7, s2  }
0x1e: {  	s7 =	smul.u32 @!p0 $0xF7A, s2;
	p2 =	seq.s32 @!p0 s5, $0x0  }
0x1f: {  	s9 =	smul.u32 $0xF7A, s1;
	s8 =	simm.s32 @!p0 $0x1BF5;
	p2 =	por !p2, p0  }
0x20: {  	[sflag:s8] =	ssyncset.s32 @!p0 $0xFFFFF086;
	s6 =	sadd.s32 @!p0 s3, s7;
	s7 =	simm.s32 @!p0 $0x108  }
0x21: {  	s3 =	sadd.s32 s3, s9;
	s6 =	sadd.s32 @!p0 $0x88, s6;
	s7 =	simm.s32 @p2 $0x1082  }
0x22: {  	[simem:s7], [sflag:s8] =	dma.local @!p0 [hbm:s6], $0xF7A  }
0x23: {  	s9 =	sor.u32 $0xD0000000, s2;
	s6 =	simm.s32 $0x108;
	_ =	swait.ge @!p0 [sflag:s8], $0x0  }
0x24: {  	s3 =	sadd.s32 $0x88, s3;
	s6 =	simm.s32 @!p1 $0x1082;
	[sflag:s4] =	ssyncset.s32 $0xFFFFF086  }
0x25: {  	[simem:s6], [sflag:s4] =	dma.local [hbm:s3], $0xF7A  }
0x26: {  	[smem:$0x3F9E] =	sst s1;
	(tag) =	ssettag s2;
	_ =	strace s9  }
0x27: {  	s1 =	sld [smem:$0x3FAE]  }
0x28: {  	s2 =	sld [smem:$0x3FAF]  }
0x29: {  	s4 =	sld [smem:$0x3FB1]  }
0x2a: {  	p0 =	seq.s32 s5, $0x0;
	s5 =	sld [smem:$0x3FB2]  }
0x2b: {  	s6 =	sld [smem:$0x3FB3]  }
0x2c: {  	s7 =	sld [smem:$0x3FB4]  }
0x2d: {  	s3 =	simm.s32 $0x108;
	s8 =	sld [smem:$0x3FB5]  }
0x2e: {  	s3 =	simm.s32 @!p0 $0x1082;
	s9 =	sld [smem:$0x3FB6]  }
0x2f: {  	lr =	sadd.s32 s0, s3;
	s0 =	sld [smem:$0x3FAD]  }
0x30: {  	s3 =	sld [smem:$0x3FB0]  }
0x31: {  	[smem:$0x3FB9] =	sst s10  }
0x32: {  	s10 =	sld [smem:$0x3FB7];
	_ =	sdelay $0x3  }
0x33: {  	p0 =	seq.s32 s10, $0x1;
	s10 =	sld [smem:$0x3FB9];
	_ =	sdelay $0x3  }
0x34: {  	[smem:$0x3FB9] =	sst s10  }
0x35: {  	s10 =	sld [smem:$0x3FB8];
	_ =	sdelay $0x3  }
0x36: {  	p1 =	seq.s32 s10, $0x1;
	s10 =	sld [smem:$0x3FB9];
	_ =	sdelay $0x3  }
0x37: {  	[smem:$0x3FB9] =	sst s10  }
0x38: {  	s10 =	sld [smem:$0x3FBA]  }
0x39: {  	_ = 	snop;
	(pc) =	sbr.ind lr, $3  }
0x3a: {  	_ = 	snop  }
0x3b: {  	_ = 	snop  }
0x3c: {  	p2 =	seq.s32 s10, $0x1;
	s10 =	sld [smem:$0x3FB9]  }
0x3d: {  	_ =	shalt  }
0x3e: {  	_ =	shalt  }
0x3f: {  	_ =	shalt  }
0x40: {  	_ =	shalt  }
0x41: {  	_ =	shalt  }
0x42: {  	_ =	shalt  }
0x43: {  	_ =	shalt  }
0x44: {  	_ =	shalt  }
0x45: {  	_ =	shalt  }
0x46: {  	_ =	shalt  }
0x47: {  	_ =	shalt  }
0x48: {  	_ =	shalt  }
0x49: {  	_ =	shalt  }
0x4a: {  	_ =	shalt  }
0x4b: {  	_ =	shalt  }
0x4c: {  	_ =	shalt  }
0x4d: {  	_ =	shalt  }
0x4e: {  	_ =	shalt  }
0x4f: {  	_ =	shalt  }
0x50: {  	_ =	shalt  }
0x51: {  	_ =	shalt  }
0x52: {  	_ =	shalt  }
0x53: {  	_ =	shalt  }
0x54: {  	_ =	shalt  }
0x55: {  	_ =	shalt  }
0x56: {  	_ =	shalt  }
0x57: {  	_ =	shalt  }
0x58: {  	_ =	shalt  }
0x59: {  	_ =	shalt  }
0x5a: {  	_ =	shalt  }
0x5b: {  	_ =	shalt  }
0x5c: {  	_ =	shalt  }
0x5d: {  	_ =	shalt  }
0x5e: {  	_ =	shalt  }
0x5f: {  	_ =	shalt  }
0x60: {  	_ =	shalt  }
0x61: {  	_ =	shalt  }
0x62: {  	_ =	shalt  }
0x63: {  	_ =	shalt  }
0x64: {  	_ =	shalt  }
0x65: {  	_ =	shalt  }
0x66: {  	_ =	shalt  }
0x67: {  	_ =	shalt  }
0x68: {  	_ =	shalt  }
0x69: {  	_ =	shalt  }
0x6a: {  	_ =	shalt  }
0x6b: {  	_ =	shalt  }
0x6c: {  	_ =	shalt  }
0x6d: {  	_ =	shalt  }
0x6e: {  	_ =	shalt  }
0x6f: {  	_ =	shalt  }
0x70: {  	_ =	shalt  }
0x71: {  	_ =	shalt  }
0x72: {  	_ =	shalt  }
0x73: {  	_ =	shalt  }
0x74: {  	_ =	shalt  }
0x75: {  	_ =	shalt  }
0x76: {  	_ =	shalt  }
0x77: {  	_ =	shalt  }
0x78: {  	_ =	shalt  }
0x79: {  	_ =	shalt  }
0x7a: {  	_ =	shalt  }
0x7b: {  	_ =	shalt  }
0x7c: {  	_ =	shalt  }
0x7d: {  	_ =	shalt  }
0x7e: {  	_ =	shalt  }
0x7f: {  	_ =	shalt  }
0x80: {  	_ =	shalt  }
0x81: {  	_ =	shalt  }
0x82: {  	_ =	shalt  }
0x83: {  	_ =	shalt  }
0x84: {  	_ =	shalt  }
0x85: {  	_ =	shalt  }
0x86: {  	_ =	shalt  }
0x87: {  	_ =	shalt  }
.Lfunc_end0:
.L_simem_size_0:
called_computation_lowered:
.L_overlay_start_0:
0x88: {  	s2 =	sld [smem:$0x3FD9]  }
0x89: {  	s3 =	sld [smem:$0x3FFE];
	_ =	sdelay $0x1  }
0x8a: {  	s1 =	srdreg.scid  }
0x8b: {  	s0 =	sand.u32 $0x1, s1  }
0x8c: {  	s14 =	sshll.u32 s0, $0xA;
	s2 =	sadd.s32 s3, s2  }
0x8d: {  	s2 =	sadd.s32 s2, s14  }
0x8e: {  	[smem:$0x3FC5] =	sst s2  }
0x8f: {  	_ = 	snop  }
0x90: {  	s2 =	sld [smem:$0x3FD0];
	_ =	sdelay $0x2  }
0x91: {  	s15 =	simm.s32 $0xA;
	s4 =	simm.s32 $0x10  }
0x92: {  	[smem:s4], [sflag:s15] =	dma.local [hbm:s2], $0x1  }
0x93: {  	_ =	swait.eq [sflag:s15], $0x1  }
0x94: {  	s16 =	sld [smem:$0x10];
	[sflag:s15] =	ssyncset.done $0x0  }
0x95: {  	s17 =	sld [smem:$0x11];
	[sflag:s15] =	ssyncadd.s32 $0xFFFFFFFF  }
0x96: {  	s18 =	sld [smem:$0x12];
	(tm) =	ssettm $0x1  }
0x97: {  	s5 =	sld [smem:$0x3FFB];
	_ =	sdelay $0x3  }
0x98: {  	_ =	strace s5  }
0x99: {  	s5 =	sld [smem:$0x3FFC];
	_ =	sdelay $0x3  }
0x9a: {  	_ =	strace s5  }
0x9b: {  	s5 =	sld [smem:$0x3FFD];
	_ =	sdelay $0x3  }
0x9c: {  	_ =	strace s5  }
0x9d: {  	_ =	strace $0x8FFFFFFF  }
0x9e: {  	s19 =	sld [smem:$0x3FDB];
	_ =	sdelay $0x1  }
0x9f: {  	s6 =	simm.s32 $_scs_section_size  }
0xa0: {  	s7 =	simm.s32 $_size__tile_overlayer_lowered;
	s8 =	simm.s32 $_tile_overlayer_lowered  }
0xa1: {  	s22 =	simm.s32 $0x1BFF;
	s21 =	sshll.u32 s8, $0x1;
	s5 =	sadd.s32 s6, s19  }
0xa2: {  	s9 =	simm.s32 $0x0;
	s20 =	sshll.u32 s7, $0x1;
	s7 =	sadd.s32 s21, s5  }
0xa3: {  	[timem:s9], [sflag:s22] =	dma.local [hbm:s7], s20  }
0xa4: {  	_ =	swait.ge [sflag:s22], s20  }
0xa5: {  	s6 =	ssub.s32 $0x0, s20;
	[sflag:s22] =	ssyncset.done $0x0  }
0xa6: {  	[sflag:s22] =	ssyncadd.s32 s6;
	_ =	sdelay $0x1  }
0xa7: {  	s23 =	simm.s32 $0x1B8B  }
0xa8: {  	_ =	swait.ge [sflag:s23], $0x1  }
0xa9: {  	[sflag:s23] =	ssyncset.done $0x0  }
0xaa: {  	s25 =	simm.s32 $0x1B8E;
	s24 =	sld [smem:$0x3FFE];
	[sflag:s23] =	ssyncadd.s32 $0xFFFFFFFF  }
0xab: {  	s26 =	simm.s32 $execute0_lowered;
	[smem:$0x3FD2] =	sst s25  }
0xac: {  	s7 =	sshll.u32 s26, $0x1;
	_ =	strace $0x80000046;
	[dreg:$0x1] =	wrdreg $0xFFFFFFFF  }
0xad: {  	s28 =	simm.s32 $_size_execute0_lowered;
	s5 =	sadd.s32 s5, s7;
	[dreg:$0x0] =	wrdreg $0x0  }
0xae: {  	s7 =	sshll.u32 s28, $0x1;
	[dreg:$0x2] =	wrdreg s5  }
0xaf: {  	[dreg:$0x3] =	wrdreg s7  }
0xb0: {  	[dreg:$0x4] =	wrdreg $0xC0  }
0xb1: {  	_ =	task [dreg:s9], $0x5FFFF  }
0xb2: {  	[dreg:$0x1] =	wrdreg $0xFFFFFFFF  }
0xb3: {  	[dreg:$0x0] =	wrdreg $0x60  }
0xb4: {  	[dreg:$0x2] =	wrdreg s24  }
0xb5: {  	[dreg:$0x3] =	wrdreg s16  }
0xb6: {  	[dreg:$0x4] =	wrdreg s17  }
0xb7: {  	[dreg:$0x5] =	wrdreg s18  }
0xb8: {  	[dreg:$0x6] =	wrdreg $0x9  }
0xb9: {  	_ =	task.clear_ibuf [dreg:s9], $0x7FFFF;
	_ =	strace $0x90000046  }
0xba: {  	s29 =	simm.s32 $0x9;
	_ =	strace $0x80000048  }
0xbb: {  	_ =	swait.ge [sflag:s29], $0x1  }
0xbc: {  	[sflag:s29] =	ssyncadd.s32 $0xFFFFFFFF  }
0xbd: {  	_ =	strace $0x90000048  }
0xbe: {  	_ =	sfence  }
0xbf: {  	s30 =	sld [smem:$0x0];
	_ =	sdelay $0x2  }
0xc0: {  	s31 =	sshll.u32 s1, $0xD;
	s1 =	sshrl.u32 s1, $0x2  }
0xc1: {  	s3 =	sand.u32 $0x4000, s31;
	s1 =	sadd.s32 s1, s30  }
0xc2: {  	s0 =	sor.u32 s3, s0;
	s1 =	sshll.u32 s1, $0x11  }
0xc3: {  	s0 =	sor.u32 s1, s0  }
0xc4: {  	s0 =	sadd.s32 $0x8F2B, s0  }
0xc5: {  	[sflag:s0] =	ssyncadd.remote.s32 $0x1  }
0xc6: {  	_ =	sfence.sel $0xFFFF  }
0xc7: {  	[dreg:$0x0] =	wrdreg $0xFFFFFFFF;
	(pc) =	sbr.abs _section_cstart, $3  }
0xc8: {  	[dreg:$0x1] =	wrdreg $0xFFFFFFFF  }
0xc9: {  	_ =	task.clear_ibuf [dreg:s9], $0x2FFFF;
	_ =	strace $0x9FFFFFFF  }
0xca: {  	(tm) =	ssettm $0x7FFFFFFF  }
0xcb: {  	_ =	shalt  }
tec
execute0_lowered:
.L_overlay_start_1:
0x0: {  	(tag) =	ssettag $0x1  }
0x1: {  	s0 =	rddreg [dreg:$0x0]  }
0x2: {  	s1 =	rddreg [dreg:$0x1];
	s2 =	srdreg.scid  }
0x3: {  	s14 =	stileid.u32;
	s6 =	rddreg [dreg:$0x2]  }
0x4: {  	s8 =	rddreg [dreg:$0x3];
	s28 =	simm.s32 $0xE800;
	s20 =	smul.u32 $0x32000, s14  }
0x5: {  	s29 =	simm.s32 $0x16800;
	s7 =	sand.u32 $0x1, s2;
	s23 =	smul.u32 $0x64000, s14  }
0x6: {  	s30 =	simm.s32 $0x1;
	s13 =	sshll.u32 s14, $0x1;
	s22 =	smul.u32 $0x19000, s7  }
0x7: {  	s31 =	simm.s32 $0x3;
	s9 =	sor.u32 s7, s13;
	s25 =	smul.u32 $0x32000, s7  }
0x8: {  	s2 =	simm.s32 $0x0;
	s4 =	sadd.s32 $0xE600, s0;
	s3 =	smul.u32 $0x680, s9  }
0x9: {  	s5 =	sadd.s32 $0x16400, s0;
	[smem:$0x7FF] =	sst s2;
	s12 =	smul.u32 $0x1900, s9  }
0xa: {  	s11 =	ssub.s32 $0x2, s7;
	_ =	strace $0x80000047;
	s13 =	smul.u32 $0x19000, s9  }
0xb: {  	s15 =	sshrl.u32 s11, $0x1;
	s9 =	smul.u32 $0x32000, s9;
	s26 =	sadd.s32 s23, s8  }
0xc: {  	s7 =	sadd.s32 s25, s26;
	s26 =	simm.s32 $0x8800;
	s10 =	sadd.s32 s3, s0  }
0xd: {  	s3 =	sadd.s32 $0x1E200, s0;
	s0 =	ssub.s32 s11, s15;
	s17 =	sadd.s32 s1, s13  }
0xe: {  	s18 =	sadd.s32 s6, s9;
	s19 =	sadd.s32 $0x18C0, s12;
	[dreg:$0x8] =	wrdreg s17  }
0xf: {  	s9 =	sadd.s32 s8, s9;
	s14 =	sadd.s32 $0x800, s7;
	[dreg:$0x9] =	wrdreg s18  }
0x10: {  	s7 =	simm.s32 $0x0;
	s16 =	sadd.s32 $0x22200, s10;
	[dreg:$0xa] =	wrdreg s9  }
0x11: {  	s10 =	sadd.s32 $0x1600, s10;
	s0 =	smax.u32 s0, $0x1;
	[dreg:$0x5] =	wrdreg s16  }
0x12: {  	s21 =	sshll.u32 s19, $0x4;
	s18 =	simm.s32 $0x7;
	[dreg:$0x6] =	wrdreg s10  }
0x13: {  	[dreg:$0x7] =	wrdreg s0;
	s9 =	sadd.s32 s1, s21;
	s0 =	sshll.u32 s19, $0x5  }
0x14: {  	s1 =	sadd.s32 s20, s1;
	s20 =	simm.s32 $0x40;
	[dreg:$0xb] =	wrdreg s9  }
0x15: {  	s24 =	sadd.s32 s6, s0;
	s0 =	sadd.s32 s8, s0;
	s6 =	sadd.s32 s23, s6  }
0x16: {  	s1 =	sadd.s32 s22, s1;
	s22 =	simm.s32 $0x80;
	[dreg:$0xc] =	wrdreg s24  }
0x17: {  	[dreg:$0xd] =	wrdreg s0;
	s0 =	sadd.s32 s25, s6;
	s15 =	sadd.s32 $0x400, s1  }
0x18: {  	s24 =	simm.s32 $0x12800;
	s1 =	simm.s32 $0x4;
	s25 =	simm.s32 $0x6  }
0x19: {  	s6 =	simm.s32 $0x2;
	s17 =	sadd.s32 $0x800, s0;
	s0 =	simm.s32 $0x5  }
.LBB2_1:
0x1a: {  	s8 =	rddreg [dreg:$0x5]  }
0x1b: {  	[tilespmem:s2], [sflag:$0x7] =	stream.linear.gather [hbm4b:s8+s2], $0x3200, $0x38;
	[tilespmem:$0x1A800] =	vst v63  }
0x1c: {  	_ =	swait.ge [sflag:s18], $0x3200  }
0x1d: {  	[sflag:s18] =	ssyncset.done $0x0  }
0x1e: {  	s9 =	simm.s32 $0x3400;
	s10 =	rddreg [dreg:$0x6];
	[sflag:s18] =	ssyncadd.s32 $0xFFFFCE00  }
0x1f: {  	[tilespmem:s9], [sflag:$0x7] =	stream.linear.gather [hbm4b:s10+s2], $0x3200, $0x38;
	[tilespmem:$0x1A800] =	vst v63  }
0x20: {  	_ =	swait.ge [sflag:s18], $0x3200  }
0x21: {  	[sflag:s18] =	ssyncset.done $0x0  }
0x22: {  	s10 =	simm.s32 $0x6800;
	[sflag:s18] =	ssyncadd.s32 $0xFFFFCE00  }
0x23: {  	[tilespmem:s10], [sflag:$0x1] =	stream.indirect.gather [hbm4b:s3+s20], $0x80, s9, s20, $0xb8;
	[tilespmem:$0x1A800] =	vst v63  }
0x24: {  	s11 =	simm.s32 $0xA800  }
0x25: {  	[tilespmem:s11], [sflag:$0x2] =	stream.indirect.gather [hbm4b:s4+s22], $0x80, s2, s22, $0xb8;
	[tilespmem:$0x1A800] =	vst v63  }
0x26: {  	_ = 	snop  }
0x27: {  	[tilespmem:s24], [sflag:$0x3] =	stream.indirect.gather [hbm4b:s5+s22], $0x80, s2, s22, $0xb8;
	[tilespmem:$0x1A800] =	vst v63  }
0x28: {  	s12 =	simm.s32 $0x3480  }
0x29: {  	[tilespmem:s26], [sflag:$0x1] =	stream.indirect.gather [hbm4b:s3+s20], $0x80, s12, s20, $0xb8;
	[tilespmem:$0x1A800] =	vst v63  }
0x2a: {  	_ = 	snop  }
0x2b: {  	[tilespmem:s28], [sflag:$0x2] =	stream.indirect.gather [hbm4b:s4+s22], $0x80, s22, s22, $0xb8;
	[tilespmem:$0x1A800] =	vst v63  }
0x2c: {  	_ = 	snop  }
0x2d: {  	[tilespmem:s29], [sflag:$0x3] =	stream.indirect.gather [hbm4b:s5+s22], $0x80, s22, s22, $0xb8;
	[tilespmem:$0x1A800] =	vst v63  }
0x2e: {  	_ =	swait.ge [sflag:s30], $0x2000  }
0x2f: {  	[sflag:s30] =	ssyncset.done $0x0  }
0x30: {  	s13 =	rddreg [dreg:$0x8];
	[sflag:s30] =	ssyncadd.s32 $0xFFFFE000  }
0x31: {  	[hbm4b:s13+s2] =	stream.linear.scatter [tilespmem:s10], [sflag:$0x4], $0x2000, $0x38;
	[tilespmem:$0x1A800] =	vst v63  }
0x32: {  	_ =	swait.ge [sflag:s6], $0x4000  }
0x33: {  	[sflag:s6] =	ssyncset.done $0x0  }
0x34: {  	s16 =	rddreg [dreg:$0x9];
	[sflag:s6] =	ssyncadd.s32 $0xFFFFC000  }
0x35: {  	[hbm4b:s16+s2] =	stream.linear.scatter [tilespmem:s11], [sflag:$0x5], $0x4000, $0x38;
	[tilespmem:$0x1A800] =	vst v63  }
0x36: {  	_ =	swait.ge [sflag:s31], $0x4000  }
0x37: {  	[sflag:s31] =	ssyncset.done $0x0  }
0x38: {  	s19 =	rddreg [dreg:$0xa];
	[sflag:s31] =	ssyncadd.s32 $0xFFFFC000  }
0x39: {  	[hbm4b:s19+s2] =	stream.linear.scatter [tilespmem:s24], [sflag:$0x6], $0x4000, $0x38;
	[tilespmem:$0x1A800] =	vst v63  }
0x3a: {  	_ =	swait.ge [sflag:s1], $0x2000  }
0x3b: {  	[sflag:s1] =	ssyncset.done $0x0  }
0x3c: {  	[sflag:s1] =	ssyncadd.s32 $0xFFFFE000  }
0x3d: {  	_ =	swait.ge [sflag:s0], $0x4000  }
0x3e: {  	[sflag:s0] =	ssyncset.done $0x0  }
0x3f: {  	[sflag:s0] =	ssyncadd.s32 $0xFFFFC000  }
0x40: {  	s21 =	sand.u32 $0x1, s6;
	_ =	swait.ge [sflag:s25], $0x4000  }
0x41: {  	s23 =	simm.s32 $0x3500;
	s11 =	sshll.u32 s21, $0xD;
	[sflag:s25] =	ssyncset.done $0x0  }
0x42: {  	s8 =	sshll.u32 s21, $0xE;
	s10 =	sadd.s32 $0x6800, s11;
	[sflag:s25] =	ssyncadd.s32 $0xFFFFC000  }
0x43: {  	[tilespmem:s10], [sflag:$0x1] =	stream.indirect.gather [hbm4b:s3+s20], $0x80, s23, s20, $0xb8;
	[tilespmem:$0x1A800] =	vst v63  }
0x44: {  	s12 =	simm.s32 $0x100;
	s13 =	sor.u32 $0xA800, s8  }
0x45: {  	[tilespmem:s13], [sflag:$0x2] =	stream.indirect.gather [hbm4b:s4+s22], $0x80, s12, s22, $0xb8;
	[tilespmem:$0x1A800] =	vst v63  }
0x46: {  	s8 =	sor.u32 $0x12800, s8;
	s16 =	simm.s32 $0x1  }
0x47: {  	[tilespmem:s8], [sflag:$0x3] =	stream.indirect.gather [hbm4b:s5+s22], $0x80, s12, s22, $0xb8;
	[tilespmem:$0x1A800] =	vst v63  }
0x48: {  	s19 =	sand.u32 $0x1, s16;
	_ =	swait.ge [sflag:s30], $0x2000  }
0x49: {  	s21 =	sshll.u32 s19, $0xD;
	[sflag:s30] =	ssyncset.done $0x0  }
0x4a: {  	s9 =	sadd.s32 $0x6800, s21;
	[sflag:s30] =	ssyncadd.s32 $0xFFFFE000  }
0x4b: {  	[hbm4b:s15+s2] =	stream.linear.scatter [tilespmem:s9], [sflag:$0x4], $0x2000, $0x38;
	[tilespmem:$0x1A800] =	vst v63  }
0x4c: {  	_ =	swait.ge [sflag:s6], $0x4000  }
0x4d: {  	s11 =	sadd.s32 $0x800, s14;
	s13 =	sshll.u32 s19, $0xE;
	[sflag:s6] =	ssyncset.done $0x0  }
0x4e: {  	s16 =	smov.u32 s14;
	s23 =	sor.u32 $0xA800, s13;
	[sflag:s6] =	ssyncadd.s32 $0xFFFFC000  }
0x4f: {  	[hbm4b:s17+s2] =	stream.linear.scatter [tilespmem:s23], [sflag:$0x5], $0x4000, $0x38;
	[tilespmem:$0x1A800] =	vst v63  }
0x50: {  	s10 =	simm.s32 $0x180;
	s19 =	sor.u32 $0x12800, s13;
	_ =	swait.ge [sflag:s31], $0x4000  }
0x51: {  	s13 =	sadd.s32 $0x400, s15;
	s8 =	simm.s32 $0x3;
	[sflag:s31] =	ssyncset.done $0x0  }
0x52: {  	s12 =	sadd.s32 $0x800, s17;
	s9 =	simm.s32 $0x3580;
	[sflag:s31] =	ssyncadd.s32 $0xFFFFC000  }
.LBB2_2:
0x53: {  	[hbm4b:s16+s2] =	stream.linear.scatter [tilespmem:s19], [sflag:$0x6], $0x4000, $0x38;
	[tilespmem:$0x1A800] =	vst v63  }
0x54: {  	s19 =	smov.u32 s8;
	s16 =	smov.u32 s11  }
0x55: {  	p0 =	sne.s32 s8, $0x63;
	s8 =	sadd.s32 $0x1, s8;
	_ =	swait.ge [sflag:s1], $0x2000  }
0x56: {  	[sflag:s1] =	ssyncset.done $0x0  }
0x57: {  	[sflag:s1] =	ssyncadd.s32 $0xFFFFE000  }
0x58: {  	_ =	swait.ge [sflag:s0], $0x4000  }
0x59: {  	[sflag:s0] =	ssyncset.done $0x0  }
0x5a: {  	[sflag:s0] =	ssyncadd.s32 $0xFFFFC000  }
0x5b: {  	s21 =	sand.u32 $0x1, s19;
	_ =	swait.ge [sflag:s25], $0x4000  }
0x5c: {  	s23 =	sshll.u32 s21, $0xD;
	s21 =	sshll.u32 s21, $0xE;
	[sflag:s25] =	ssyncset.done $0x0  }
0x5d: {  	s23 =	sadd.s32 $0x6800, s23;
	[sflag:s25] =	ssyncadd.s32 $0xFFFFC000  }
0x5e: {  	[tilespmem:s23], [sflag:$0x1] =	stream.indirect.gather [hbm4b:s3+s20], $0x80, s9, s20, $0xb8;
	[tilespmem:$0x1A800] =	vst v63  }
0x5f: {  	s23 =	sor.u32 $0xA800, s21  }
0x60: {  	[tilespmem:s23], [sflag:$0x2] =	stream.indirect.gather [hbm4b:s4+s22], $0x80, s10, s22, $0xb8;
	[tilespmem:$0x1A800] =	vst v63  }
0x61: {  	s19 =	sadd.s32 $0xFFFFFFFF, s19;
	s21 =	sor.u32 $0x12800, s21  }
0x62: {  	[tilespmem:s21], [sflag:$0x3] =	stream.indirect.gather [hbm4b:s5+s22], $0x80, s10, s22, $0xb8;
	[tilespmem:$0x1A800] =	vst v63  }
0x63: {  	s19 =	sand.u32 $0x1, s19;
	_ =	swait.ge [sflag:s30], $0x2000  }
0x64: {  	s21 =	sshll.u32 s19, $0xD;
	s19 =	sshll.u32 s19, $0xE;
	[sflag:s30] =	ssyncset.done $0x0  }
0x65: {  	s21 =	sadd.s32 $0x6800, s21;
	[sflag:s30] =	ssyncadd.s32 $0xFFFFE000  }
0x66: {  	[hbm4b:s13+s2] =	stream.linear.scatter [tilespmem:s21], [sflag:$0x4], $0x2000, $0x38;
	[tilespmem:$0x1A800] =	vst v63  }
0x67: {  	_ =	swait.ge [sflag:s6], $0x4000  }
0x68: {  	[sflag:s6] =	ssyncset.done $0x0  }
.Ltmp0:
0x69: {  	s21 =	sor.u32 $0xA800, s19;
	[sflag:s6] =	ssyncadd.s32 $0xFFFFC000;
	(pc) =	sbr.rel @p0 .LBB2_2-.Ltmp0, $4  }
0x6a: {  	[hbm4b:s12+s2] =	stream.linear.scatter [tilespmem:s21], [sflag:$0x5], $0x4000, $0x38;
	[tilespmem:$0x1A800] =	vst v63  }
0x6b: {  	s9 =	sadd.s32 $0x80, s9;
	s10 =	sadd.s32 $0x80, s10;
	_ =	swait.ge [sflag:s31], $0x4000  }
0x6c: {  	s11 =	sadd.s32 $0x800, s11;
	s12 =	sadd.s32 $0x800, s12;
	[sflag:s31] =	ssyncset.done $0x0  }
0x6d: {  	s19 =	sor.u32 $0x12800, s19;
	s13 =	sadd.s32 $0x400, s13;
	[sflag:s31] =	ssyncadd.s32 $0xFFFFC000  }
0x6e: {  	[hbm4b:s16+s2] =	stream.linear.scatter [tilespmem:s19], [sflag:$0x6], $0x4000, $0x38;
	[tilespmem:$0x1A800] =	vst v63  }
0x6f: {  	_ =	swait.ge [sflag:s1], $0x2000  }
0x70: {  	[sflag:s1] =	ssyncset.done $0x0  }
0x71: {  	[sflag:s1] =	ssyncadd.s32 $0xFFFFE000  }
0x72: {  	_ =	swait.ge [sflag:s0], $0x4000  }
0x73: {  	[sflag:s0] =	ssyncset.done $0x0  }
0x74: {  	[sflag:s0] =	ssyncadd.s32 $0xFFFFC000  }
0x75: {  	_ =	swait.ge [sflag:s25], $0x4000  }
0x76: {  	[sflag:s25] =	ssyncset.done $0x0  }
0x77: {  	[sflag:s25] =	ssyncadd.s32 $0xFFFFC000  }
0x78: {  	_ =	swait.ge [sflag:s30], $0x2000  }
0x79: {  	[sflag:s30] =	ssyncset.done $0x0  }
0x7a: {  	s8 =	rddreg [dreg:$0xb];
	[sflag:s30] =	ssyncadd.s32 $0xFFFFE000  }
0x7b: {  	[hbm4b:s8+s2] =	stream.linear.scatter [tilespmem:s26], [sflag:$0x4], $0x2000, $0x38;
	[tilespmem:$0x1A800] =	vst v63  }
0x7c: {  	_ =	swait.ge [sflag:s6], $0x4000  }
0x7d: {  	[sflag:s6] =	ssyncset.done $0x0  }
0x7e: {  	s19 =	rddreg [dreg:$0xc];
	[sflag:s6] =	ssyncadd.s32 $0xFFFFC000  }
0x7f: {  	[hbm4b:s19+s2] =	stream.linear.scatter [tilespmem:s28], [sflag:$0x5], $0x4000, $0x38;
	[tilespmem:$0x1A800] =	vst v63  }
0x80: {  	_ =	swait.ge [sflag:s31], $0x4000  }
0x81: {  	[sflag:s31] =	ssyncset.done $0x0  }
0x82: {  	s21 =	rddreg [dreg:$0xd];
	[sflag:s31] =	ssyncadd.s32 $0xFFFFC000  }
0x83: {  	[hbm4b:s21+s2] =	stream.linear.scatter [tilespmem:s29], [sflag:$0x6], $0x4000, $0x38;
	[tilespmem:$0x1A800] =	vst v63  }
0x84: {  	_ =	swait.ge [sflag:s1], $0x2000  }
0x85: {  	[sflag:s1] =	ssyncset.done $0x0  }
0x86: {  	[sflag:s1] =	ssyncadd.s32 $0xFFFFE000  }
0x87: {  	_ =	swait.ge [sflag:s0], $0x4000  }
0x88: {  	[sflag:s0] =	ssyncset.done $0x0  }
0x89: {  	[sflag:s0] =	ssyncadd.s32 $0xFFFFC000  }
0x8a: {  	_ =	swait.ge [sflag:s25], $0x4000  }
0x8b: {  	s7 =	sadd.s32 $0x1, s7;
	s23 =	rddreg [dreg:$0x7]  }
0x8c: {  	p0 =	sne.s32 s7, s23  }
.Ltmp1:
0x8d: {  	_ = 	snop;
	(pc) =	sbr.rel @p0 .LBB2_1-.Ltmp1, $3  }
0x8e: {  	_ =	sdelay $0x1  }
0x8f: {  	[sflag:s25] =	ssyncset.done $0x0  }
0x90: {  	[sflag:s25] =	ssyncadd.s32 $0xFFFFC000  }
0x91: {  	_ =	sfence.sel $0x180000  }
0x92: {  	[bflag:$0x0] =	sbarrier.arrive $0xFFFF  }
0x93: {  	_ =	strace $0x90000047  }
0x94: {  	s0 =	stileid.u32;
	[bflag:$0x2] =	sbarrier.arrive $0xFFFF  }
0x95: {  	p0 =	sne.s32 s0, $0x0;
	s0 =	rddreg [dreg:$0x4]  }
0x96: {  	s0 =	sadd.s32 @!p0 $0x100000, s0  }
0x97: {  	[sflag:s0] =	ssyncadd.tile.s32 @!p0 $0x1;
	_ =	shalt  }
.Lfunc_end2:
_tile_overlayer_lowered:
.L_overlay_start_2:
0x98: {  	(tag) =	ssettag $0x2  }
0x99: {  	s0 =	rddreg [dreg:$0x0];
	s2 =	stileid.u32  }
0x9a: {  	s1 =	rddreg [dreg:$0x1];
	p0 =	sne.s32 s2, $0x0  }
0x9b: {  	s3 =	rddreg [dreg:$0x2];
	[bflag:$0x3] =	sbarrier.arrive $0xFFFF;
	s2 =	simm.s32 @!p0 $0x1C07  }
0x9c: {  	[timem:s3], [sflag:s2] =	dma.local @!p0 [hbm:s0], s1  }
0x9d: {  	s0 =	simm.s32 @!p0 $0x7  }
0x9e: {  	_ =	swait.ge @!p0 [sflag:s0], s1  }
0x9f: {  	s1 =	ssub.s32 @!p0 $0x0, s1;
	[sflag:s0] =	ssyncset.done @!p0 $0x0  }
0xa0: {  	[sflag:s0] =	ssyncadd.s32 @!p0 s1  }
0xa1: {  	[bflag:$0x3] =	sbarrier.arrive $0xFFFF  }
0xa2: {  	_ =	shalt  }

</sc_bundles>
